<compile_context>
chip_gen: v7x
topology: tpu7x:2x2x1
jax: 0.10.2.dev20260603
libtpu: 0.0.44.dev20260713+nightly
codegen_flags: <defaults>
</compile_context>

<pallas_src>
import jax
import jax.numpy as jnp
from jax import lax
from jax.experimental import pallas as pl
from jax.experimental.pallas import tpu as pltpu
from jax.experimental.pallas import tpu_sc as plsc

N_MAT = 10000
N_OP = 10000
E = 320000
EMB = 128
EA = 16

NC = 2
NS = 16
NW = NC * NS

DPW = EMB // NW
EB = 4000
NB = E // EB
CH = E // NW
LANES = 16

_SC_MESH = dict(core_axis_name="c", subcore_axis_name="s",
                num_cores=NC, num_subcores=NS)
_SC_PARAMS = pltpu.CompilerParams(needs_layout_passes=False)

_HI = lax.Precision.HIGHEST


def _eye(n):
    r = lax.broadcasted_iota(jnp.int32, (n, n), 0)
    c = lax.broadcasted_iota(jnp.int32, (n, n), 1)
    return jnp.where(r == c, 1.0, 0.0).astype(jnp.float32)


def _node_body(mat_ref, ops_ref, wmat_ref, wop_ref, asc_ref, ac_ref,
               up_ref, opst_ref, sself_ref, smat_ref, sop_ref):
    dn = (((1,), (1,)), ((), ()))
    up = lax.dot_general(mat_ref[...], wmat_ref[...], dn,
                         preferred_element_type=jnp.float32)
    opsup = lax.dot_general(ops_ref[...], wop_ref[...], dn,
                            preferred_element_type=jnp.float32)
    up_ref[...] = up
    opst_ref[...] = lax.dot_general(_eye(EMB), opsup, (((1,), (1,)), ((), ())),
                                    precision=_HI,
                                    preferred_element_type=jnp.float32)
    bf = lambda x: x.astype(jnp.bfloat16).astype(jnp.float32)
    upb = bf(up)
    opsupb = bf(opsup)
    c_sum = bf(asc_ref[0:128, 0]) + bf(asc_ref[128:256, 0])
    b1 = bf(ac_ref[0:128, 0])
    b2 = bf(ac_ref[128:256, 0])
    s = jnp.sum(upb * c_sum[None, :], axis=1, keepdims=True)
    sself_ref[...] = jnp.maximum(s, 0.2 * s)
    smat_ref[...] = jnp.sum(upb * b1[None, :], axis=1, keepdims=True)
    sop_ref[...] = jnp.sum(opsupb * b2[None, :], axis=1, keepdims=True)


def _node_stage(materials, ops_pad, W_mat, W_op, asc, ac):
    f32 = jnp.float32
    return pl.pallas_call(
        _node_body,
        out_shape=[
            jax.ShapeDtypeStruct((N_MAT, EMB), f32),
            jax.ShapeDtypeStruct((EMB, N_OP), f32),
            jax.ShapeDtypeStruct((N_MAT, 1), f32),
            jax.ShapeDtypeStruct((N_MAT, 1), f32),
            jax.ShapeDtypeStruct((N_OP, 1), f32),
        ],
    )(materials, ops_pad, W_mat, W_op, asc, ac)


PKR = E * EA // 128
BLK_P = 1600


def _sea_body(pk_ref, w2_ref, ac_ref, sea_ref):
    bf = lambda x: x.astype(jnp.bfloat16).astype(jnp.float32)
    b2 = bf(ac_ref[128:256, 0])
    wv = jnp.sum(b2[:, None] * bf(w2_ref[...]), axis=0)
    wvfull = jnp.concatenate([wv] * 8)
    jj = lax.broadcasted_iota(jnp.int32, (128, 8), 0)
    gg = lax.broadcasted_iota(jnp.int32, (128, 8), 1)
    wv_big = jnp.where(jj // 16 == gg, wvfull[:, None], 0.0)
    sea_ref[...] = lax.dot_general(bf(pk_ref[...]), wv_big,
                                   (((1,), (0,)), ((), ())),
                                   precision=_HI,
                                   preferred_element_type=jnp.float32)


def _sea_stage(ea_packed, W2, ac):
    grid = (PKR // BLK_P,)
    return pl.pallas_call(
        _sea_body,
        grid=grid,
        in_specs=[pl.BlockSpec((BLK_P, 128), lambda i: (i, 0)),
                  pl.BlockSpec((128, EA), lambda i: (0, 0)),
                  pl.BlockSpec((256, 1), lambda i: (0, 0))],
        out_specs=pl.BlockSpec((BLK_P, 8), lambda i: (i, 0)),
        out_shape=jax.ShapeDtypeStruct((PKR, 8), jnp.float32),
    )(ea_packed, W2, ac)


def _cross_logit_body(smat_hbm, sop_hbm, src_hbm, dst_hbm, sea_hbm,
                      out_hbm, smat_v, sop_v, src_v, dst_v, sea_v, out_v):
    wid = lax.axis_index("s") * NC + lax.axis_index("c")
    base = wid * CH
    pltpu.sync_copy(smat_hbm, smat_v)
    pltpu.sync_copy(sop_hbm, sop_v)
    pltpu.sync_copy(src_hbm.at[pl.ds(base, CH)], src_v)
    pltpu.sync_copy(dst_hbm.at[pl.ds(base, CH)], dst_v)
    pltpu.sync_copy(sea_hbm.at[pl.ds(base, CH)], sea_v)

    @plsc.parallel_loop(0, CH // LANES, unroll=8)
    def body(i):
        sl = pl.ds(i * LANES, LANES)
        a = plsc.load_gather(sop_v, [src_v[sl]])
        b = plsc.load_gather(smat_v, [dst_v[sl]])
        x = a + b + sea_v[sl]
        out_v[sl] = jnp.maximum(x, 0.2 * x)

    pltpu.sync_copy(out_v, out_hbm.at[pl.ds(base, CH)])


def _cross_logit_stage(s_mat, s_op, src, dst, s_ea):
    f32, i32 = jnp.float32, jnp.int32
    k = pl.kernel(
        _cross_logit_body,
        out_type=jax.ShapeDtypeStruct((E,), f32),
        mesh=plsc.VectorSubcoreMesh(**_SC_MESH),
        compiler_params=_SC_PARAMS,
        scratch_types=[
            pltpu.VMEM((N_MAT,), f32),
            pltpu.VMEM((N_OP,), f32),
            pltpu.VMEM((CH,), i32),
            pltpu.VMEM((CH,), i32),
            pltpu.VMEM((CH,), f32),
            pltpu.VMEM((CH,), f32),
        ],
    )
    return k(s_mat, s_op, src, dst, s_ea)


def _softmax_body(a_ref, b_ref, wa_ref, wb_ref):
    a = a_ref[...]
    b = b_ref[...]
    m = jnp.maximum(jnp.max(a), jnp.max(b))
    ea_ = jnp.exp(a - m)
    eb_ = jnp.exp(b - m)
    inv = 1.0 / (jnp.sum(ea_) + jnp.sum(eb_))
    wa_ref[...] = ea_ * inv
    wb_ref[...] = eb_ * inv


def _softmax_stage(sself, clog2):
    return pl.pallas_call(
        _softmax_body,
        out_shape=[jax.ShapeDtypeStruct(sself.shape, jnp.float32),
                   jax.ShapeDtypeStruct(clog2.shape, jnp.float32)],
    )(sself, clog2)


def _scatter_body(src_hbm, dst_hbm, wc_hbm, opst_hbm, eat_hbm,
                  acct_hbm, seg16_hbm,
                  t0, t1, t2, t3, a0, a1, a2, a3, acc16,
                  sA, dA, wA, eA, sB, dB, wB, eB, semA, semB):
    wid = lax.axis_index("s") * NC + lax.axis_index("c")
    k_ea = wid % EA
    half = wid // EA
    tbls = (t0, t1, t2, t3)
    accs = (a0, a1, a2, a3)
    bufA = (sA, dA, wA, eA)
    bufB = (sB, dB, wB, eB)
    for j in range(DPW):
        pltpu.sync_copy(opst_hbm.at[pl.ds((wid * DPW + j) * N_OP, N_OP)],
                        tbls[j])

    zeros = jnp.zeros((LANES,), jnp.float32)
    for j in range(DPW):
        acc_j = accs[j]

        @plsc.parallel_loop(0, N_MAT // LANES, unroll=8)
        def z_body(i):
            acc_j[pl.ds(i * LANES, LANES)] = zeros

    @plsc.parallel_loop(0, N_MAT // LANES, unroll=8)
    def z16_body(i):
        acc16[pl.ds(i * LANES, LANES)] = zeros

    def stage(b, bufs, sem):
        base = b * EB
        cps = [
            pltpu.make_async_copy(src_hbm.at[pl.ds(base, EB)], bufs[0], sem),
            pltpu.make_async_copy(dst_hbm.at[pl.ds(base, EB)], bufs[1], sem),
            pltpu.make_async_copy(wc_hbm.at[pl.ds(base, EB)], bufs[2], sem),
            pltpu.make_async_copy(eat_hbm.at[pl.ds(k_ea * E + base, EB)],
                                  bufs[3], sem),
        ]
        for cp in cps:
            cp.start()
        return cps

    def compute(b, bufs):
        src_v, dst_v, w_v, ea_v = bufs

        @plsc.parallel_loop(0, EB // LANES, unroll=8)
        def inner(i):
            sl = pl.ds(i * LANES, LANES)
            s16 = src_v[sl]
            d16 = dst_v[sl]
            wv = w_v[sl]
            for j in range(DPW):
                vals = plsc.load_gather(tbls[j], [s16])
                plsc.addupdate_scatter(accs[j], [d16], vals * wv)

        @pl.when((b % 2) == half)
        def _():
            @plsc.parallel_loop(0, EB // LANES, unroll=8)
            def inner_ea(i):
                sl = pl.ds(i * LANES, LANES)
                d16 = dst_v[sl]
                wv = w_v[sl]
                ev = ea_v[sl]
                plsc.addupdate_scatter(acc16, [d16], ev * wv)

    for cp in stage(0, bufA, semA):
        cp.wait()

    def outer(t, _):
        b0 = t * 2
        cpsB = stage(b0 + 1, bufB, semB)
        compute(b0, bufA)
        for cp in cpsB:
            cp.wait()
        cpsA = stage(lax.rem(b0 + 2, NB), bufA, semA)
        compute(b0 + 1, bufB)
        for cp in cpsA:
            cp.wait()
        return 0

    lax.fori_loop(0, NB // 2, outer, 0)
    for j in range(DPW):
        pltpu.sync_copy(accs[j],
                        acct_hbm.at[pl.ds((wid * DPW + j) * N_MAT, N_MAT)])
    pltpu.sync_copy(acc16, seg16_hbm.at[pl.ds(wid * N_MAT, N_MAT)])


def _scatter_stage(src, dst, wc, opst_flat, eat_flat):
    f32, i32 = jnp.float32, jnp.int32
    ebufs = [pltpu.VMEM((EB,), i32), pltpu.VMEM((EB,), i32),
             pltpu.VMEM((EB,), f32), pltpu.VMEM((EB,), f32)]
    k = pl.kernel(
        _scatter_body,
        out_type=[jax.ShapeDtypeStruct((EMB * N_MAT,), f32),
                  jax.ShapeDtypeStruct((NW * N_MAT,), f32)],
        mesh=plsc.VectorSubcoreMesh(**_SC_MESH),
        compiler_params=_SC_PARAMS,
        scratch_types=(
            [pltpu.VMEM((N_OP,), f32)] * DPW
            + [pltpu.VMEM((N_MAT,), f32)] * DPW
            + [pltpu.VMEM((N_MAT,), f32)]
            + ebufs + ebufs
            + [pltpu.SemaphoreType.DMA, pltpu.SemaphoreType.DMA]
        ),
    )
    return k(src, dst, wc, opst_flat, eat_flat)


def _combine_body(up_ref, wself_ref, acct_ref, seg_ref, w2_ref, out_ref):
    acc = lax.dot_general(acct_ref[...], _eye(EMB), (((0,), (0,)), ((), ())),
                          precision=_HI,
                          preferred_element_type=jnp.float32)
    segt = lax.dot_general(seg_ref[...], _eye(NW), (((0,), (0,)), ((), ())),
                           precision=_HI,
                           preferred_element_type=jnp.float32)
    seg = segt[:, 0:EA] + segt[:, EA:2 * EA]
    term2 = lax.dot_general(seg, w2_ref[...], (((1,), (1,)), ((), ())),
                            precision=_HI,
                            preferred_element_type=jnp.float32)
    x = wself_ref[...] * up_ref[...] + acc + term2
    out_ref[...] = jnp.where(x > 0, x, jnp.exp(jnp.minimum(x, 0.0)) - 1.0)


def _combine_stage(up, wself, acct, seg16p, W2b):
    return pl.pallas_call(
        _combine_body,
        out_shape=jax.ShapeDtypeStruct((N_MAT, EMB), jnp.float32),
    )(up, wself, acct, seg16p, W2b)


def kernel(materials, operations, edge_index, edge_attr,
           W_mat, W_op, att_self_coef, att_coef):
    f32 = jnp.float32
    src = edge_index[0]
    dst = edge_index[1]
    W2 = W_op[:, 112:]
    W2b = W2.astype(jnp.bfloat16).astype(f32)
    eat_flat = edge_attr.astype(jnp.bfloat16).astype(f32).T.reshape(-1)
    ops_pad = jnp.pad(operations, ((0, 0), (0, EMB - 112)))

    up, opst, s_self, s_mat, s_op = _node_stage(
        materials, ops_pad, W_mat, W_op, att_self_coef, att_coef)
    s_ea = _sea_stage(edge_attr.reshape(PKR, 128), W2, att_coef)

    clog = _cross_logit_stage(s_mat[:, 0], s_op[:, 0], src, dst,
                              s_ea.reshape(-1))

    wself, wc2 = _softmax_stage(s_self, clog.reshape(E // 128, 128))
    wc = wc2.reshape(-1)

    acct_flat, seg16p = _scatter_stage(src, dst, wc,
                                       opst.reshape(-1), eat_flat)
    acct = acct_flat.reshape(EMB, N_MAT)
    seg16p = seg16p.reshape(NW, N_MAT)

    return _combine_stage(up, wself, acct, seg16p, W2b)

# --- scband reference (transcript-rebuilt; emitter-appended) ---
"""Pipeline reference for scband-material-embedding-layer-74217034875538 (READ-ONLY COPY).

The authoritative reference and input builder live on the scoring server;
editing this copy changes nothing except your own understanding.
"""

import jax, jax.numpy as jnp
import numpy as np

N_MAT = 10000
N_OP = 10000
E = 320000
MAT_DIM = 128
OP_DIM = 128  # operations feat (112) + edge_attr (16)
EMB = 128


def _xavier(key, shape, gain=1.414):
    fan_in, fan_out = shape[1], shape[0]
    bound = gain * np.sqrt(6.0 / (fan_in + fan_out))
    return jax.random.uniform(key, shape, dtype=jnp.float32, minval=-bound, maxval=bound)


def setup_inputs(seed: int = 0) -> dict:
    key = jax.random.key(seed)
    ks = jax.random.split(key, 8)
    materials = jax.random.normal(ks[0], (N_MAT, MAT_DIM), dtype=jnp.float32)
    operations = jax.random.normal(ks[1], (N_OP, 112), dtype=jnp.float32)
    edge_index = jax.random.randint(ks[2], (2, E), 0, N_MAT, dtype=jnp.int32)
    edge_attr = jax.random.normal(ks[3], (E, 16), dtype=jnp.float32)
    # Learned parameters (torch Linear stores weight as [out, in]; y = x @ W.T)
    W_mat = _xavier(ks[4], (EMB, MAT_DIM))
    W_op = _xavier(ks[5], (EMB, OP_DIM))
    att_self_coef = _xavier(ks[6], (2 * EMB, 1))
    att_coef = _xavier(ks[7], (2 * EMB, 1))
    return {
        "materials": materials,
        "operations": operations,
        "edge_index": edge_index,
        "edge_attr": edge_attr,
        "W_mat": W_mat,
        "W_op": W_op,
        "att_self_coef": att_self_coef,
        "att_coef": att_coef,
    }


def reference(materials, operations, edge_index, edge_attr, W_mat, W_op, att_self_coef, att_coef):
    lrelu = lambda x: jax.nn.leaky_relu(x, negative_slope=0.2)
    n_mat = materials.shape[0]
    # upscaled_materials = self.material_upscale(materials)
    upscaled_materials = materials @ W_mat.T  # [N, EMB]
    # self attention logits
    self_attention = lrelu(jnp.concatenate([upscaled_materials, upscaled_materials], axis=-1) @ att_self_coef)  # [N, 1]
    # gather operations by edge src, concat edge_attr, upscale
    ops_gathered = jnp.take(operations, edge_index[0], axis=0)  # [E, 112]
    ops_by_edges = jnp.concatenate([ops_gathered, edge_attr], axis=-1) @ W_op.T  # [E, EMB]
    # gather upscaled materials by edge dst
    mat_by_edges = jnp.take(upscaled_materials, edge_index[1], axis=0)  # [E, EMB]
    cross_attention = lrelu(jnp.concatenate([mat_by_edges, ops_by_edges], axis=-1) @ att_coef)  # [E, 1]
    # global softmax over concat of self + cross logits, along dim 0
    normalizer = jax.nn.softmax(jnp.concatenate([self_attention, cross_attention], axis=0), axis=0)
    norm_self_attention = normalizer[:n_mat]
    norm_cross_attention = normalizer[n_mat:]
    weighted_ops_by_edges = norm_cross_attention * ops_by_edges  # [E, EMB]
    sum_ops_by_edges = jax.ops.segment_sum(weighted_ops_by_edges, edge_index[1], num_segments=n_mat)  # [N, EMB]
    embedding = jax.nn.elu(norm_self_attention * upscaled_materials + sum_ops_by_edges)
    return embedding

if __name__ == "__main__":
    import jax
    _d = setup_inputs()
    print(jax.jit(kernel)(*tuple(_d.values())))

</pallas_src>

<mosaic_0001>
#map = affine_map<(d0, d1) -> (0)>
module attributes {stable_mosaic.version = 14 : i64} {
  func.func @_scatter_body(%arg0: i32, %arg1: i32, %arg2: memref<320000xi32, #tpu.memory_space<hbm>>, %arg3: memref<320000xi32, #tpu.memory_space<hbm>>, %arg4: memref<320000xf32, #tpu.memory_space<hbm>>, %arg5: memref<1280000xf32, #tpu.memory_space<hbm>>, %arg6: memref<5120000xf32, #tpu.memory_space<hbm>>, %arg7: memref<1280000xf32, #tpu.memory_space<hbm>>, %arg8: memref<320000xf32, #tpu.memory_space<hbm>>, %arg9: memref<10000xf32, #tpu.memory_space<vmem>>, %arg10: memref<10000xf32, #tpu.memory_space<vmem>>, %arg11: memref<10000xf32, #tpu.memory_space<vmem>>, %arg12: memref<10000xf32, #tpu.memory_space<vmem>>, %arg13: memref<10000xf32, #tpu.memory_space<vmem>>, %arg14: memref<10000xf32, #tpu.memory_space<vmem>>, %arg15: memref<10000xf32, #tpu.memory_space<vmem>>, %arg16: memref<10000xf32, #tpu.memory_space<vmem>>, %arg17: memref<10000xf32, #tpu.memory_space<vmem>>, %arg18: memref<4000xi32, #tpu.memory_space<vmem>>, %arg19: memref<4000xi32, #tpu.memory_space<vmem>>, %arg20: memref<4000xf32, #tpu.memory_space<vmem>>, %arg21: memref<4000xf32, #tpu.memory_space<vmem>>, %arg22: memref<4000xi32, #tpu.memory_space<vmem>>, %arg23: memref<4000xi32, #tpu.memory_space<vmem>>, %arg24: memref<4000xf32, #tpu.memory_space<vmem>>, %arg25: memref<4000xf32, #tpu.memory_space<vmem>>, %arg26: memref<!tpu.dma_semaphore, #tpu.memory_space<semaphore_mem>>, %arg27: memref<!tpu.dma_semaphore, #tpu.memory_space<semaphore_mem>>) attributes {dimension_semantics = [#tpu.dimension_semantics<core_parallel>, #tpu.dimension_semantics<subcore_parallel>], iteration_bounds = array<i64: 2, 16>, scalar_prefetch = 0 : i64, scratch_operands = 19 : i64, tpu.core_type = #tpu.core_type<sc_vector_subcore>, window_params = [{transform_indices = #map}, {transform_indices = #map}, {transform_indices = #map}, {transform_indices = #map}, {transform_indices = #map}, {transform_indices = #map}, {transform_indices = #map}]} {
    %mul3A = arith.constant 2 : i32
    %mul3A_0 = arith.muli %arg1, %mul3A : i32
    %add3A = arith.addi %mul3A_0, %arg0 : i32
    %jit3A = arith.constant 16 : i32
    %eq3A = arith.constant 0 : i32
    %eq3A_1 = arith.cmpi eq, %jit3A, %eq3A : i32
    %jit3A_2 = arith.constant 1 : i32
    %select_n3A = arith.select %eq3A_1, %jit3A_2, %jit3A : i32
    %rem3A = arith.remsi %add3A, %select_n3A : i32
    %ne3A = arith.constant 0 : i32
    %ne3A_3 = arith.cmpi ne, %rem3A, %ne3A : i32
    %lt3A = arith.constant 0 : i32
    %lt3A_4 = arith.cmpi slt, %rem3A, %lt3A : i32
    %lt3A_5 = arith.constant 0 : i32
    %lt3A_6 = arith.cmpi slt, %select_n3A, %lt3A_5 : i32
    %ne3A_7 = arith.xori %lt3A_4, %lt3A_6 : i1
    %and3A = arith.andi %ne3A_7, %ne3A_3 : i1
    %add3A_8 = arith.addi %rem3A, %select_n3A : i32
    %select_n3A_9 = arith.select %and3A, %add3A_8, %rem3A : i32
    %jit3A_10 = arith.constant 16 : i32
    %div3A = arith.divsi %add3A, %jit3A_10 : i32
    %sign3A = arith.constant 0 : i32
    %sign3A_11 = arith.cmpi sgt, %add3A, %sign3A : i32
    %sign3A_12 = arith.extui %sign3A_11 : i1 to i32
    %sign3A_13 = arith.constant 0 : i32
    %sign3A_14 = arith.cmpi slt, %add3A, %sign3A_13 : i32
    %sign3A_15 = arith.extui %sign3A_14 : i1 to i32
    %sign3A_16 = arith.subi %sign3A_12, %sign3A_15 : i32
    %sign3A_17 = arith.constant 0 : i32
    %sign3A_18 = arith.cmpi sgt, %jit3A_10, %sign3A_17 : i32
    %sign3A_19 = arith.extui %sign3A_18 : i1 to i32
    %sign3A_20 = arith.constant 0 : i32
    %sign3A_21 = arith.cmpi slt, %jit3A_10, %sign3A_20 : i32
    %sign3A_22 = arith.extui %sign3A_21 : i1 to i32
    %sign3A_23 = arith.subi %sign3A_19, %sign3A_22 : i32
    %ne3A_24 = arith.cmpi ne, %sign3A_16, %sign3A_23 : i32
    %rem3A_25 = arith.remsi %add3A, %jit3A_10 : i32
    %ne3A_26 = arith.constant 0 : i32
    %ne3A_27 = arith.cmpi ne, %rem3A_25, %ne3A_26 : i32
    %and3A_28 = arith.andi %ne3A_24, %ne3A_27 : i1
    %sub3A = arith.constant 1 : i32
    %sub3A_29 = arith.subi %div3A, %sub3A : i32
    %select_n3A_30 = arith.select %and3A_28, %sub3A_29, %div3A : i32
    %mul3A_31 = arith.constant 4 : i32
    %mul3A_32 = arith.muli %add3A, %mul3A_31 : i32
    %add3A_33 = arith.constant 0 : i32
    %add3A_34 = arith.addi %mul3A_32, %add3A_33 : i32
    %mul3A_35 = arith.constant 10000 : i32
    %mul3A_36 = arith.muli %add3A_34, %mul3A_35 : i32
    "tpu.region"() ({
      %run_scoped3A = tpu.sem_alloc : memref<!tpu.dma_semaphore, #tpu.memory_space<semaphore_mem>>
      %dma_start3A_132 = tpu.memref_slice %arg5[%mul3A_36] : memref<1280000xf32, #tpu.memory_space<hbm>> -> memref<10000xf32, #tpu.memory_space<hbm>>
      %dma_start3A_133 = tpu.memref_slice %arg5[%mul3A_36] : memref<1280000xf32, #tpu.memory_space<hbm>> -> memref<10000xf32, #tpu.memory_space<hbm>>
      tpu.enqueue_dma source(%dma_start3A_133 : memref<10000xf32, #tpu.memory_space<hbm>>) target(%arg9 : memref<10000xf32, #tpu.memory_space<vmem>>) target_semaphore(%run_scoped3A : memref<!tpu.dma_semaphore, #tpu.memory_space<semaphore_mem>>)
      %dma_wait3A_134 = tpu.memref_slice %arg5[%mul3A_36] : memref<1280000xf32, #tpu.memory_space<hbm>> -> memref<10000xf32, #tpu.memory_space<hbm>>
      %dma_wait3A_135 = tpu.memref_slice %arg5[%mul3A_36] : memref<1280000xf32, #tpu.memory_space<hbm>> -> memref<10000xf32, #tpu.memory_space<hbm>>
      tpu.wait_dma2 semaphore(%run_scoped3A : memref<!tpu.dma_semaphore, #tpu.memory_space<semaphore_mem>>) src(%dma_wait3A_135 : memref<10000xf32, #tpu.memory_space<hbm>>) dst(%arg9 : memref<10000xf32, #tpu.memory_space<vmem>>)
      tpu.yield
    }) : () -> ()
    %mul3A_37 = arith.constant 4 : i32
    %mul3A_38 = arith.muli %add3A, %mul3A_37 : i32
    %add3A_39 = arith.constant 1 : i32
    %add3A_40 = arith.addi %mul3A_38, %add3A_39 : i32
    %mul3A_41 = arith.constant 10000 : i32
    %mul3A_42 = arith.muli %add3A_40, %mul3A_41 : i32
    "tpu.region"() ({
      %run_scoped3A = tpu.sem_alloc : memref<!tpu.dma_semaphore, #tpu.memory_space<semaphore_mem>>
      %dma_start3A_132 = tpu.memref_slice %arg5[%mul3A_42] : memref<1280000xf32, #tpu.memory_space<hbm>> -> memref<10000xf32, #tpu.memory_space<hbm>>
      %dma_start3A_133 = tpu.memref_slice %arg5[%mul3A_42] : memref<1280000xf32, #tpu.memory_space<hbm>> -> memref<10000xf32, #tpu.memory_space<hbm>>
      tpu.enqueue_dma source(%dma_start3A_133 : memref<10000xf32, #tpu.memory_space<hbm>>) target(%arg10 : memref<10000xf32, #tpu.memory_space<vmem>>) target_semaphore(%run_scoped3A : memref<!tpu.dma_semaphore, #tpu.memory_space<semaphore_mem>>)
      %dma_wait3A_134 = tpu.memref_slice %arg5[%mul3A_42] : memref<1280000xf32, #tpu.memory_space<hbm>> -> memref<10000xf32, #tpu.memory_space<hbm>>
      %dma_wait3A_135 = tpu.memref_slice %arg5[%mul3A_42] : memref<1280000xf32, #tpu.memory_space<hbm>> -> memref<10000xf32, #tpu.memory_space<hbm>>
      tpu.wait_dma2 semaphore(%run_scoped3A : memref<!tpu.dma_semaphore, #tpu.memory_space<semaphore_mem>>) src(%dma_wait3A_135 : memref<10000xf32, #tpu.memory_space<hbm>>) dst(%arg10 : memref<10000xf32, #tpu.memory_space<vmem>>)
      tpu.yield
    }) : () -> ()
    %mul3A_43 = arith.constant 4 : i32
    %mul3A_44 = arith.muli %add3A, %mul3A_43 : i32
    %add3A_45 = arith.constant 2 : i32
    %add3A_46 = arith.addi %mul3A_44, %add3A_45 : i32
    %mul3A_47 = arith.constant 10000 : i32
    %mul3A_48 = arith.muli %add3A_46, %mul3A_47 : i32
    "tpu.region"() ({
      %run_scoped3A = tpu.sem_alloc : memref<!tpu.dma_semaphore, #tpu.memory_space<semaphore_mem>>
      %dma_start3A_132 = tpu.memref_slice %arg5[%mul3A_48] : memref<1280000xf32, #tpu.memory_space<hbm>> -> memref<10000xf32, #tpu.memory_space<hbm>>
      %dma_start3A_133 = tpu.memref_slice %arg5[%mul3A_48] : memref<1280000xf32, #tpu.memory_space<hbm>> -> memref<10000xf32, #tpu.memory_space<hbm>>
      tpu.enqueue_dma source(%dma_start3A_133 : memref<10000xf32, #tpu.memory_space<hbm>>) target(%arg11 : memref<10000xf32, #tpu.memory_space<vmem>>) target_semaphore(%run_scoped3A : memref<!tpu.dma_semaphore, #tpu.memory_space<semaphore_mem>>)
      %dma_wait3A_134 = tpu.memref_slice %arg5[%mul3A_48] : memref<1280000xf32, #tpu.memory_space<hbm>> -> memref<10000xf32, #tpu.memory_space<hbm>>
      %dma_wait3A_135 = tpu.memref_slice %arg5[%mul3A_48] : memref<1280000xf32, #tpu.memory_space<hbm>> -> memref<10000xf32, #tpu.memory_space<hbm>>
      tpu.wait_dma2 semaphore(%run_scoped3A : memref<!tpu.dma_semaphore, #tpu.memory_space<semaphore_mem>>) src(%dma_wait3A_135 : memref<10000xf32, #tpu.memory_space<hbm>>) dst(%arg11 : memref<10000xf32, #tpu.memory_space<vmem>>)
      tpu.yield
    }) : () -> ()
    %mul3A_49 = arith.constant 4 : i32
    %mul3A_50 = arith.muli %add3A, %mul3A_49 : i32
    %add3A_51 = arith.constant 3 : i32
    %add3A_52 = arith.addi %mul3A_50, %add3A_51 : i32
    %mul3A_53 = arith.constant 10000 : i32
    %mul3A_54 = arith.muli %add3A_52, %mul3A_53 : i32
    "tpu.region"() ({
      %run_scoped3A = tpu.sem_alloc : memref<!tpu.dma_semaphore, #tpu.memory_space<semaphore_mem>>
      %dma_start3A_132 = tpu.memref_slice %arg5[%mul3A_54] : memref<1280000xf32, #tpu.memory_space<hbm>> -> memref<10000xf32, #tpu.memory_space<hbm>>
      %dma_start3A_133 = tpu.memref_slice %arg5[%mul3A_54] : memref<1280000xf32, #tpu.memory_space<hbm>> -> memref<10000xf32, #tpu.memory_space<hbm>>
      tpu.enqueue_dma source(%dma_start3A_133 : memref<10000xf32, #tpu.memory_space<hbm>>) target(%arg12 : memref<10000xf32, #tpu.memory_space<vmem>>) target_semaphore(%run_scoped3A : memref<!tpu.dma_semaphore, #tpu.memory_space<semaphore_mem>>)
      %dma_wait3A_134 = tpu.memref_slice %arg5[%mul3A_54] : memref<1280000xf32, #tpu.memory_space<hbm>> -> memref<10000xf32, #tpu.memory_space<hbm>>
      %dma_wait3A_135 = tpu.memref_slice %arg5[%mul3A_54] : memref<1280000xf32, #tpu.memory_space<hbm>> -> memref<10000xf32, #tpu.memory_space<hbm>>
      tpu.wait_dma2 semaphore(%run_scoped3A : memref<!tpu.dma_semaphore, #tpu.memory_space<semaphore_mem>>) src(%dma_wait3A_135 : memref<10000xf32, #tpu.memory_space<hbm>>) dst(%arg12 : memref<10000xf32, #tpu.memory_space<vmem>>)
      tpu.yield
    }) : () -> ()
    %broadcast_in_dim3A = arith.constant 0.000000e+00 : f32
    %broadcast_in_dim3A_55 = vector.broadcast %broadcast_in_dim3A : f32 to vector<16xf32>
    %parallel_loop3A = arith.constant 0 : i32
    %parallel_loop3A_56 = arith.constant 625 : i32
    %parallel_loop3A_57 = arith.constant 1 : i32
    scf.for %parallel_loop3A_132 = %parallel_loop3A to %parallel_loop3A_56 step %parallel_loop3A_57  : i32 {
      %parallel_loop3A_133 = arith.constant 16 : i32
      %parallel_loop3A_134 = arith.muli %parallel_loop3A_132, %parallel_loop3A_133 : i32
      %parallel_loop3A_135 = arith.index_cast %parallel_loop3A_134 : i32 to index
      %parallel_loop3A_136 = tpu.vector_load %arg13[%parallel_loop3A_135] {strides = array<i32>} : memref<10000xf32, #tpu.memory_space<vmem>>, vector<16xf32>,
      tpu.vector_store %arg13[%parallel_loop3A_135], %broadcast_in_dim3A_55 {strides = array<i32>} : memref<10000xf32, #tpu.memory_space<vmem>>, vector<16xf32>,
    } {sc.loop_unroll_factor = 8 : i64, sc.parallel_access}
    %parallel_loop3A_58 = arith.constant 0 : i32
    %parallel_loop3A_59 = arith.constant 625 : i32
    %parallel_loop3A_60 = arith.constant 1 : i32
    scf.for %parallel_loop3A_132 = %parallel_loop3A_58 to %parallel_loop3A_59 step %parallel_loop3A_60  : i32 {
      %parallel_loop3A_133 = arith.constant 16 : i32
      %parallel_loop3A_134 = arith.muli %parallel_loop3A_132, %parallel_loop3A_133 : i32
      %parallel_loop3A_135 = arith.index_cast %parallel_loop3A_134 : i32 to index
      %parallel_loop3A_136 = tpu.vector_load %arg14[%parallel_loop3A_135] {strides = array<i32>} : memref<10000xf32, #tpu.memory_space<vmem>>, vector<16xf32>,
      tpu.vector_store %arg14[%parallel_loop3A_135], %broadcast_in_dim3A_55 {strides = array<i32>} : memref<10000xf32, #tpu.memory_space<vmem>>, vector<16xf32>,
    } {sc.loop_unroll_factor = 8 : i64, sc.parallel_access}
    %parallel_loop3A_61 = arith.constant 0 : i32
    %parallel_loop3A_62 = arith.constant 625 : i32
    %parallel_loop3A_63 = arith.constant 1 : i32
    scf.for %parallel_loop3A_132 = %parallel_loop3A_61 to %parallel_loop3A_62 step %parallel_loop3A_63  : i32 {
      %parallel_loop3A_133 = arith.constant 16 : i32
      %parallel_loop3A_134 = arith.muli %parallel_loop3A_132, %parallel_loop3A_133 : i32
      %parallel_loop3A_135 = arith.index_cast %parallel_loop3A_134 : i32 to index
      %parallel_loop3A_136 = tpu.vector_load %arg15[%parallel_loop3A_135] {strides = array<i32>} : memref<10000xf32, #tpu.memory_space<vmem>>, vector<16xf32>,
      tpu.vector_store %arg15[%parallel_loop3A_135], %broadcast_in_dim3A_55 {strides = array<i32>} : memref<10000xf32, #tpu.memory_space<vmem>>, vector<16xf32>,
    } {sc.loop_unroll_factor = 8 : i64, sc.parallel_access}
    %parallel_loop3A_64 = arith.constant 0 : i32
    %parallel_loop3A_65 = arith.constant 625 : i32
    %parallel_loop3A_66 = arith.constant 1 : i32
    scf.for %parallel_loop3A_132 = %parallel_loop3A_64 to %parallel_loop3A_65 step %parallel_loop3A_66  : i32 {
      %parallel_loop3A_133 = arith.constant 16 : i32
      %parallel_loop3A_134 = arith.muli %parallel_loop3A_132, %parallel_loop3A_133 : i32
      %parallel_loop3A_135 = arith.index_cast %parallel_loop3A_134 : i32 to index
      %parallel_loop3A_136 = tpu.vector_load %arg16[%parallel_loop3A_135] {strides = array<i32>} : memref<10000xf32, #tpu.memory_space<vmem>>, vector<16xf32>,
      tpu.vector_store %arg16[%parallel_loop3A_135], %broadcast_in_dim3A_55 {strides = array<i32>} : memref<10000xf32, #tpu.memory_space<vmem>>, vector<16xf32>,
    } {sc.loop_unroll_factor = 8 : i64, sc.parallel_access}
    %parallel_loop3A_67 = arith.constant 0 : i32
    %parallel_loop3A_68 = arith.constant 625 : i32
    %parallel_loop3A_69 = arith.constant 1 : i32
    scf.for %parallel_loop3A_132 = %parallel_loop3A_67 to %parallel_loop3A_68 step %parallel_loop3A_69  : i32 {
      %parallel_loop3A_133 = arith.constant 16 : i32
      %parallel_loop3A_134 = arith.muli %parallel_loop3A_132, %parallel_loop3A_133 : i32
      %parallel_loop3A_135 = arith.index_cast %parallel_loop3A_134 : i32 to index
      %parallel_loop3A_136 = tpu.vector_load %arg17[%parallel_loop3A_135] {strides = array<i32>} : memref<10000xf32, #tpu.memory_space<vmem>>, vector<16xf32>,
      tpu.vector_store %arg17[%parallel_loop3A_135], %broadcast_in_dim3A_55 {strides = array<i32>} : memref<10000xf32, #tpu.memory_space<vmem>>, vector<16xf32>,
    } {sc.loop_unroll_factor = 8 : i64, sc.parallel_access}
    %mul3A_70 = arith.constant 320000 : i32
    %mul3A_71 = arith.muli %select_n3A_9, %mul3A_70 : i32
    %add3A_72 = arith.constant 0 : i32
    %add3A_73 = arith.addi %mul3A_71, %add3A_72 : i32
    %dma_start3A = arith.constant 0 : i32
    %dma_start3A_74 = tpu.memref_slice %arg2[%dma_start3A] : memref<320000xi32, #tpu.memory_space<hbm>> -> memref<4000xi32, #tpu.memory_space<hbm>>
    %dma_start3A_75 = arith.constant 0 : i32
    %dma_start3A_76 = tpu.memref_slice %arg2[%dma_start3A_75] : memref<320000xi32, #tpu.memory_space<hbm>> -> memref<4000xi32, #tpu.memory_space<hbm>>
    tpu.enqueue_dma source(%dma_start3A_76 : memref<4000xi32, #tpu.memory_space<hbm>>) target(%arg18 : memref<4000xi32, #tpu.memory_space<vmem>>) target_semaphore(%arg26 : memref<!tpu.dma_semaphore, #tpu.memory_space<semaphore_mem>>)
    %dma_start3A_77 = arith.constant 0 : i32
    %dma_start3A_78 = tpu.memref_slice %arg3[%dma_start3A_77] : memref<320000xi32, #tpu.memory_space<hbm>> -> memref<4000xi32, #tpu.memory_space<hbm>>
    %dma_start3A_79 = arith.constant 0 : i32
    %dma_start3A_80 = tpu.memref_slice %arg3[%dma_start3A_79] : memref<320000xi32, #tpu.memory_space<hbm>> -> memref<4000xi32, #tpu.memory_space<hbm>>
    tpu.enqueue_dma source(%dma_start3A_80 : memref<4000xi32, #tpu.memory_space<hbm>>) target(%arg19 : memref<4000xi32, #tpu.memory_space<vmem>>) target_semaphore(%arg26 : memref<!tpu.dma_semaphore, #tpu.memory_space<semaphore_mem>>)
    %dma_start3A_81 = arith.constant 0 : i32
    %dma_start3A_82 = tpu.memref_slice %arg4[%dma_start3A_81] : memref<320000xf32, #tpu.memory_space<hbm>> -> memref<4000xf32, #tpu.memory_space<hbm>>
    %dma_start3A_83 = arith.constant 0 : i32
    %dma_start3A_84 = tpu.memref_slice %arg4[%dma_start3A_83] : memref<320000xf32, #tpu.memory_space<hbm>> -> memref<4000xf32, #tpu.memory_space<hbm>>
    tpu.enqueue_dma source(%dma_start3A_84 : memref<4000xf32, #tpu.memory_space<hbm>>) target(%arg20 : memref<4000xf32, #tpu.memory_space<vmem>>) target_semaphore(%arg26 : memref<!tpu.dma_semaphore, #tpu.memory_space<semaphore_mem>>)
    %dma_start3A_85 = tpu.memref_slice %arg6[%add3A_73] : memref<5120000xf32, #tpu.memory_space<hbm>> -> memref<4000xf32, #tpu.memory_space<hbm>>
    %dma_start3A_86 = tpu.memref_slice %arg6[%add3A_73] : memref<5120000xf32, #tpu.memory_space<hbm>> -> memref<4000xf32, #tpu.memory_space<hbm>>
    tpu.enqueue_dma source(%dma_start3A_86 : memref<4000xf32, #tpu.memory_space<hbm>>) target(%arg21 : memref<4000xf32, #tpu.memory_space<vmem>>) target_semaphore(%arg26 : memref<!tpu.dma_semaphore, #tpu.memory_space<semaphore_mem>>)
    %dma_wait3A = arith.constant 0 : i32
    %dma_wait3A_87 = tpu.memref_slice %arg2[%dma_wait3A] : memref<320000xi32, #tpu.memory_space<hbm>> -> memref<4000xi32, #tpu.memory_space<hbm>>
    %dma_wait3A_88 = arith.constant 0 : i32
    %dma_wait3A_89 = tpu.memref_slice %arg2[%dma_wait3A_88] : memref<320000xi32, #tpu.memory_space<hbm>> -> memref<4000xi32, #tpu.memory_space<hbm>>
    tpu.wait_dma2 semaphore(%arg26 : memref<!tpu.dma_semaphore, #tpu.memory_space<semaphore_mem>>) src(%dma_wait3A_89 : memref<4000xi32, #tpu.memory_space<hbm>>) dst(%arg18 : memref<4000xi32, #tpu.memory_space<vmem>>)
    %dma_wait3A_90 = arith.constant 0 : i32
    %dma_wait3A_91 = tpu.memref_slice %arg3[%dma_wait3A_90] : memref<320000xi32, #tpu.memory_space<hbm>> -> memref<4000xi32, #tpu.memory_space<hbm>>
    %dma_wait3A_92 = arith.constant 0 : i32
    %dma_wait3A_93 = tpu.memref_slice %arg3[%dma_wait3A_92] : memref<320000xi32, #tpu.memory_space<hbm>> -> memref<4000xi32, #tpu.memory_space<hbm>>
    tpu.wait_dma2 semaphore(%arg26 : memref<!tpu.dma_semaphore, #tpu.memory_space<semaphore_mem>>) src(%dma_wait3A_93 : memref<4000xi32, #tpu.memory_space<hbm>>) dst(%arg19 : memref<4000xi32, #tpu.memory_space<vmem>>)
    %dma_wait3A_94 = arith.constant 0 : i32
    %dma_wait3A_95 = tpu.memref_slice %arg4[%dma_wait3A_94] : memref<320000xf32, #tpu.memory_space<hbm>> -> memref<4000xf32, #tpu.memory_space<hbm>>
    %dma_wait3A_96 = arith.constant 0 : i32
    %dma_wait3A_97 = tpu.memref_slice %arg4[%dma_wait3A_96] : memref<320000xf32, #tpu.memory_space<hbm>> -> memref<4000xf32, #tpu.memory_space<hbm>>
    tpu.wait_dma2 semaphore(%arg26 : memref<!tpu.dma_semaphore, #tpu.memory_space<semaphore_mem>>) src(%dma_wait3A_97 : memref<4000xf32, #tpu.memory_space<hbm>>) dst(%arg20 : memref<4000xf32, #tpu.memory_space<vmem>>)
    %dma_wait3A_98 = tpu.memref_slice %arg6[%add3A_73] : memref<5120000xf32, #tpu.memory_space<hbm>> -> memref<4000xf32, #tpu.memory_space<hbm>>
    %dma_wait3A_99 = tpu.memref_slice %arg6[%add3A_73] : memref<5120000xf32, #tpu.memory_space<hbm>> -> memref<4000xf32, #tpu.memory_space<hbm>>
    tpu.wait_dma2 semaphore(%arg26 : memref<!tpu.dma_semaphore, #tpu.memory_space<semaphore_mem>>) src(%dma_wait3A_99 : memref<4000xf32, #tpu.memory_space<hbm>>) dst(%arg21 : memref<4000xf32, #tpu.memory_space<vmem>>)
    %scan3A = arith.constant 0 : i32
    %scan3A_100 = arith.constant 0 : i32
    %scan3A_101 = arith.constant 40 : i32
    %scan3A_102 = arith.addi %scan3A_100, %scan3A_101 : i32
    %scan3A_103 = arith.constant 1 : i32
    %scan3A_104 = scf.for %scan3A_132 = %scan3A_100 to %scan3A_102 step %scan3A_103 iter_args(%scan3A_133 = %scan3A) -> (i32)  : i32 {
      %mul3A_134 = arith.constant 2 : i32
      %mul3A_135 = arith.muli %scan3A_132, %mul3A_134 : i32
      %add3A_136 = arith.constant 1 : i32
      %add3A_137 = arith.addi %mul3A_135, %add3A_136 : i32
      %mul3A_138 = arith.constant 4000 : i32
      %mul3A_139 = arith.muli %add3A_137, %mul3A_138 : i32
      %mul3A_140 = arith.constant 320000 : i32
      %mul3A_141 = arith.muli %select_n3A_9, %mul3A_140 : i32
      %add3A_142 = arith.addi %mul3A_141, %mul3A_139 : i32
      %dma_start3A_143 = tpu.memref_slice %arg2[%mul3A_139] : memref<320000xi32, #tpu.memory_space<hbm>> -> memref<4000xi32, #tpu.memory_space<hbm>>
      %dma_start3A_144 = tpu.memref_slice %arg2[%mul3A_139] : memref<320000xi32, #tpu.memory_space<hbm>> -> memref<4000xi32, #tpu.memory_space<hbm>>
      tpu.enqueue_dma source(%dma_start3A_144 : memref<4000xi32, #tpu.memory_space<hbm>>) target(%arg22 : memref<4000xi32, #tpu.memory_space<vmem>>) target_semaphore(%arg27 : memref<!tpu.dma_semaphore, #tpu.memory_space<semaphore_mem>>)
      %dma_start3A_145 = tpu.memref_slice %arg3[%mul3A_139] : memref<320000xi32, #tpu.memory_space<hbm>> -> memref<4000xi32, #tpu.memory_space<hbm>>
      %dma_start3A_146 = tpu.memref_slice %arg3[%mul3A_139] : memref<320000xi32, #tpu.memory_space<hbm>> -> memref<4000xi32, #tpu.memory_space<hbm>>
      tpu.enqueue_dma source(%dma_start3A_146 : memref<4000xi32, #tpu.memory_space<hbm>>) target(%arg23 : memref<4000xi32, #tpu.memory_space<vmem>>) target_semaphore(%arg27 : memref<!tpu.dma_semaphore, #tpu.memory_space<semaphore_mem>>)
      %dma_start3A_147 = tpu.memref_slice %arg4[%mul3A_139] : memref<320000xf32, #tpu.memory_space<hbm>> -> memref<4000xf32, #tpu.memory_space<hbm>>
      %dma_start3A_148 = tpu.memref_slice %arg4[%mul3A_139] : memref<320000xf32, #tpu.memory_space<hbm>> -> memref<4000xf32, #tpu.memory_space<hbm>>
      tpu.enqueue_dma source(%dma_start3A_148 : memref<4000xf32, #tpu.memory_space<hbm>>) target(%arg24 : memref<4000xf32, #tpu.memory_space<vmem>>) target_semaphore(%arg27 : memref<!tpu.dma_semaphore, #tpu.memory_space<semaphore_mem>>)
      %dma_start3A_149 = tpu.memref_slice %arg6[%add3A_142] : memref<5120000xf32, #tpu.memory_space<hbm>> -> memref<4000xf32, #tpu.memory_space<hbm>>
      %dma_start3A_150 = tpu.memref_slice %arg6[%add3A_142] : memref<5120000xf32, #tpu.memory_space<hbm>> -> memref<4000xf32, #tpu.memory_space<hbm>>
      tpu.enqueue_dma source(%dma_start3A_150 : memref<4000xf32, #tpu.memory_space<hbm>>) target(%arg25 : memref<4000xf32, #tpu.memory_space<vmem>>) target_semaphore(%arg27 : memref<!tpu.dma_semaphore, #tpu.memory_space<semaphore_mem>>)
      %parallel_loop3A_151 = arith.constant 0 : i32
      %parallel_loop3A_152 = arith.constant 250 : i32
      %parallel_loop3A_153 = arith.constant 1 : i32
      scf.for %parallel_loop3A_231 = %parallel_loop3A_151 to %parallel_loop3A_152 step %parallel_loop3A_153  : i32 {
        %parallel_loop3A_232 = arith.constant 16 : i32
        %parallel_loop3A_233 = arith.muli %parallel_loop3A_231, %parallel_loop3A_232 : i32
        %parallel_loop3A_234 = arith.index_cast %parallel_loop3A_233 : i32 to index
        %parallel_loop3A_235 = tpu.vector_load %arg18[%parallel_loop3A_234] {strides = array<i32>} : memref<4000xi32, #tpu.memory_space<vmem>>, vector<16xi32>,
        %parallel_loop3A_236 = arith.index_cast %parallel_loop3A_233 : i32 to index
        %parallel_loop3A_237 = tpu.vector_load %arg19[%parallel_loop3A_236] {strides = array<i32>} : memref<4000xi32, #tpu.memory_space<vmem>>, vector<16xi32>,
        %parallel_loop3A_238 = arith.index_cast %parallel_loop3A_233 : i32 to index
        %parallel_loop3A_239 = tpu.vector_load %arg20[%parallel_loop3A_238] {strides = array<i32>} : memref<4000xf32, #tpu.memory_space<vmem>>, vector<16xf32>,
        %parallel_loop3A_240 = tpu.vector_load_idx %arg9[%parallel_loop3A_235] : memref<10000xf32, #tpu.memory_space<vmem>>[vector<16xi32>], vector<16xf32>,
        %parallel_loop3A_241 = arith.mulf %parallel_loop3A_240, %parallel_loop3A_239 : vector<16xf32>
        tpu.vector_store_idx %arg13[%parallel_loop3A_237], %parallel_loop3A_241 {add = true} : memref<10000xf32, #tpu.memory_space<vmem>>[vector<16xi32>], vector<16xf32>,
        %parallel_loop3A_242 = tpu.vector_load_idx %arg10[%parallel_loop3A_235] : memref<10000xf32, #tpu.memory_space<vmem>>[vector<16xi32>], vector<16xf32>,
        %parallel_loop3A_243 = arith.mulf %parallel_loop3A_242, %parallel_loop3A_239 : vector<16xf32>
        tpu.vector_store_idx %arg14[%parallel_loop3A_237], %parallel_loop3A_243 {add = true} : memref<10000xf32, #tpu.memory_space<vmem>>[vector<16xi32>], vector<16xf32>,
        %parallel_loop3A_244 = tpu.vector_load_idx %arg11[%parallel_loop3A_235] : memref<10000xf32, #tpu.memory_space<vmem>>[vector<16xi32>], vector<16xf32>,
        %parallel_loop3A_245 = arith.mulf %parallel_loop3A_244, %parallel_loop3A_239 : vector<16xf32>
        tpu.vector_store_idx %arg15[%parallel_loop3A_237], %parallel_loop3A_245 {add = true} : memref<10000xf32, #tpu.memory_space<vmem>>[vector<16xi32>], vector<16xf32>,
        %parallel_loop3A_246 = tpu.vector_load_idx %arg12[%parallel_loop3A_235] : memref<10000xf32, #tpu.memory_space<vmem>>[vector<16xi32>], vector<16xf32>,
        %parallel_loop3A_247 = arith.mulf %parallel_loop3A_246, %parallel_loop3A_239 : vector<16xf32>
        tpu.vector_store_idx %arg16[%parallel_loop3A_237], %parallel_loop3A_247 {add = true} : memref<10000xf32, #tpu.memory_space<vmem>>[vector<16xi32>], vector<16xf32>,
      } {sc.loop_unroll_factor = 8 : i64, sc.parallel_access}
      %jit3A_154 = arith.constant 2 : i32
      %eq3A_155 = arith.constant 0 : i32
      %eq3A_156 = arith.cmpi eq, %jit3A_154, %eq3A_155 : i32
      %jit3A_157 = arith.constant 1 : i32
      %select_n3A_158 = arith.select %eq3A_156, %jit3A_157, %jit3A_154 : i32
      %rem3A_159 = arith.remsi %mul3A_135, %select_n3A_158 : i32
      %ne3A_160 = arith.constant 0 : i32
      %ne3A_161 = arith.cmpi ne, %rem3A_159, %ne3A_160 : i32
      %lt3A_162 = arith.constant 0 : i32
      %lt3A_163 = arith.cmpi slt, %rem3A_159, %lt3A_162 : i32
      %lt3A_164 = arith.constant 0 : i32
      %lt3A_165 = arith.cmpi slt, %select_n3A_158, %lt3A_164 : i32
      %ne3A_166 = arith.xori %lt3A_163, %lt3A_165 : i1
      %and3A_167 = arith.andi %ne3A_166, %ne3A_161 : i1
      %add3A_168 = arith.addi %rem3A_159, %select_n3A_158 : i32
      %select_n3A_169 = arith.select %and3A_167, %add3A_168, %rem3A_159 : i32
      %eq3A_170 = arith.cmpi eq, %select_n3A_169, %select_n3A_30 : i32
      %convert_element_type3A = arith.extui %eq3A_170 : i1 to i32
      %cond3A = arith.constant 0 : i32
      %cond3A_171 = arith.cmpi ne, %convert_element_type3A, %cond3A : i32
      scf.if %cond3A_171 {
        %parallel_loop3A_231 = arith.constant 0 : i32
        %parallel_loop3A_232 = arith.constant 250 : i32
        %parallel_loop3A_233 = arith.constant 1 : i32
        scf.for %parallel_loop3A_234 = %parallel_loop3A_231 to %parallel_loop3A_232 step %parallel_loop3A_233  : i32 {
          %parallel_loop3A_235 = arith.constant 16 : i32
          %parallel_loop3A_236 = arith.muli %parallel_loop3A_234, %parallel_loop3A_235 : i32
          %parallel_loop3A_237 = arith.index_cast %parallel_loop3A_236 : i32 to index
          %parallel_loop3A_238 = tpu.vector_load %arg19[%parallel_loop3A_237] {strides = array<i32>} : memref<4000xi32, #tpu.memory_space<vmem>>, vector<16xi32>,
          %parallel_loop3A_239 = arith.index_cast %parallel_loop3A_236 : i32 to index
          %parallel_loop3A_240 = tpu.vector_load %arg20[%parallel_loop3A_239] {strides = array<i32>} : memref<4000xf32, #tpu.memory_space<vmem>>, vector<16xf32>,
          %parallel_loop3A_241 = arith.index_cast %parallel_loop3A_236 : i32 to index
          %parallel_loop3A_242 = tpu.vector_load %arg21[%parallel_loop3A_241] {strides = array<i32>} : memref<4000xf32, #tpu.memory_space<vmem>>, vector<16xf32>,
          %parallel_loop3A_243 = arith.mulf %parallel_loop3A_242, %parallel_loop3A_240 : vector<16xf32>
          tpu.vector_store_idx %arg17[%parallel_loop3A_238], %parallel_loop3A_243 {add = true} : memref<10000xf32, #tpu.memory_space<vmem>>[vector<16xi32>], vector<16xf32>,
        } {sc.loop_unroll_factor = 8 : i64, sc.parallel_access}
      } else {
      }
      %dma_wait3A_172 = tpu.memref_slice %arg2[%mul3A_139] : memref<320000xi32, #tpu.memory_space<hbm>> -> memref<4000xi32, #tpu.memory_space<hbm>>
      %dma_wait3A_173 = tpu.memref_slice %arg2[%mul3A_139] : memref<320000xi32, #tpu.memory_space<hbm>> -> memref<4000xi32, #tpu.memory_space<hbm>>
      tpu.wait_dma2 semaphore(%arg27 : memref<!tpu.dma_semaphore, #tpu.memory_space<semaphore_mem>>) src(%dma_wait3A_173 : memref<4000xi32, #tpu.memory_space<hbm>>) dst(%arg22 : memref<4000xi32, #tpu.memory_space<vmem>>)
      %dma_wait3A_174 = tpu.memref_slice %arg3[%mul3A_139] : memref<320000xi32, #tpu.memory_space<hbm>> -> memref<4000xi32, #tpu.memory_space<hbm>>
      %dma_wait3A_175 = tpu.memref_slice %arg3[%mul3A_139] : memref<320000xi32, #tpu.memory_space<hbm>> -> memref<4000xi32, #tpu.memory_space<hbm>>
      tpu.wait_dma2 semaphore(%arg27 : memref<!tpu.dma_semaphore, #tpu.memory_space<semaphore_mem>>) src(%dma_wait3A_175 : memref<4000xi32, #tpu.memory_space<hbm>>) dst(%arg23 : memref<4000xi32, #tpu.memory_space<vmem>>)
      %dma_wait3A_176 = tpu.memref_slice %arg4[%mul3A_139] : memref<320000xf32, #tpu.memory_space<hbm>> -> memref<4000xf32, #tpu.memory_space<hbm>>
      %dma_wait3A_177 = tpu.memref_slice %arg4[%mul3A_139] : memref<320000xf32, #tpu.memory_space<hbm>> -> memref<4000xf32, #tpu.memory_space<hbm>>
      tpu.wait_dma2 semaphore(%arg27 : memref<!tpu.dma_semaphore, #tpu.memory_space<semaphore_mem>>) src(%dma_wait3A_177 : memref<4000xf32, #tpu.memory_space<hbm>>) dst(%arg24 : memref<4000xf32, #tpu.memory_space<vmem>>)
      %dma_wait3A_178 = tpu.memref_slice %arg6[%add3A_142] : memref<5120000xf32, #tpu.memory_space<hbm>> -> memref<4000xf32, #tpu.memory_space<hbm>>
      %dma_wait3A_179 = tpu.memref_slice %arg6[%add3A_142] : memref<5120000xf32, #tpu.memory_space<hbm>> -> memref<4000xf32, #tpu.memory_space<hbm>>
      tpu.wait_dma2 semaphore(%arg27 : memref<!tpu.dma_semaphore, #tpu.memory_space<semaphore_mem>>) src(%dma_wait3A_179 : memref<4000xf32, #tpu.memory_space<hbm>>) dst(%arg25 : memref<4000xf32, #tpu.memory_space<vmem>>)
      %add3A_180 = arith.constant 2 : i32
      %add3A_181 = arith.addi %mul3A_135, %add3A_180 : i32
      %rem3A_182 = arith.constant 80 : i32
      %rem3A_183 = arith.remsi %add3A_181, %rem3A_182 : i32
      %mul3A_184 = arith.constant 4000 : i32
      %mul3A_185 = arith.muli %rem3A_183, %mul3A_184 : i32
      %mul3A_186 = arith.constant 320000 : i32
      %mul3A_187 = arith.muli %select_n3A_9, %mul3A_186 : i32
      %add3A_188 = arith.addi %mul3A_187, %mul3A_185 : i32
      %dma_start3A_189 = tpu.memref_slice %arg2[%mul3A_185] : memref<320000xi32, #tpu.memory_space<hbm>> -> memref<4000xi32, #tpu.memory_space<hbm>>
      %dma_start3A_190 = tpu.memref_slice %arg2[%mul3A_185] : memref<320000xi32, #tpu.memory_space<hbm>> -> memref<4000xi32, #tpu.memory_space<hbm>>
      tpu.enqueue_dma source(%dma_start3A_190 : memref<4000xi32, #tpu.memory_space<hbm>>) target(%arg18 : memref<4000xi32, #tpu.memory_space<vmem>>) target_semaphore(%arg26 : memref<!tpu.dma_semaphore, #tpu.memory_space<semaphore_mem>>)
      %dma_start3A_191 = tpu.memref_slice %arg3[%mul3A_185] : memref<320000xi32, #tpu.memory_space<hbm>> -> memref<4000xi32, #tpu.memory_space<hbm>>
      %dma_start3A_192 = tpu.memref_slice %arg3[%mul3A_185] : memref<320000xi32, #tpu.memory_space<hbm>> -> memref<4000xi32, #tpu.memory_space<hbm>>
      tpu.enqueue_dma source(%dma_start3A_192 : memref<4000xi32, #tpu.memory_space<hbm>>) target(%arg19 : memref<4000xi32, #tpu.memory_space<vmem>>) target_semaphore(%arg26 : memref<!tpu.dma_semaphore, #tpu.memory_space<semaphore_mem>>)
      %dma_start3A_193 = tpu.memref_slice %arg4[%mul3A_185] : memref<320000xf32, #tpu.memory_space<hbm>> -> memref<4000xf32, #tpu.memory_space<hbm>>
      %dma_start3A_194 = tpu.memref_slice %arg4[%mul3A_185] : memref<320000xf32, #tpu.memory_space<hbm>> -> memref<4000xf32, #tpu.memory_space<hbm>>
      tpu.enqueue_dma source(%dma_start3A_194 : memref<4000xf32, #tpu.memory_space<hbm>>) target(%arg20 : memref<4000xf32, #tpu.memory_space<vmem>>) target_semaphore(%arg26 : memref<!tpu.dma_semaphore, #tpu.memory_space<semaphore_mem>>)
      %dma_start3A_195 = tpu.memref_slice %arg6[%add3A_188] : memref<5120000xf32, #tpu.memory_space<hbm>> -> memref<4000xf32, #tpu.memory_space<hbm>>
      %dma_start3A_196 = tpu.memref_slice %arg6[%add3A_188] : memref<5120000xf32, #tpu.memory_space<hbm>> -> memref<4000xf32, #tpu.memory_space<hbm>>
      tpu.enqueue_dma source(%dma_start3A_196 : memref<4000xf32, #tpu.memory_space<hbm>>) target(%arg21 : memref<4000xf32, #tpu.memory_space<vmem>>) target_semaphore(%arg26 : memref<!tpu.dma_semaphore, #tpu.memory_space<semaphore_mem>>)
      %add3A_197 = arith.constant 1 : i32
      %add3A_198 = arith.addi %mul3A_135, %add3A_197 : i32
      %parallel_loop3A_199 = arith.constant 0 : i32
      %parallel_loop3A_200 = arith.constant 250 : i32
      %parallel_loop3A_201 = arith.constant 1 : i32
      scf.for %parallel_loop3A_231 = %parallel_loop3A_199 to %parallel_loop3A_200 step %parallel_loop3A_201  : i32 {
        %parallel_loop3A_232 = arith.constant 16 : i32
        %parallel_loop3A_233 = arith.muli %parallel_loop3A_231, %parallel_loop3A_232 : i32
        %parallel_loop3A_234 = arith.index_cast %parallel_loop3A_233 : i32 to index
        %parallel_loop3A_235 = tpu.vector_load %arg22[%parallel_loop3A_234] {strides = array<i32>} : memref<4000xi32, #tpu.memory_space<vmem>>, vector<16xi32>,
        %parallel_loop3A_236 = arith.index_cast %parallel_loop3A_233 : i32 to index
        %parallel_loop3A_237 = tpu.vector_load %arg23[%parallel_loop3A_236] {strides = array<i32>} : memref<4000xi32, #tpu.memory_space<vmem>>, vector<16xi32>,
        %parallel_loop3A_238 = arith.index_cast %parallel_loop3A_233 : i32 to index
        %parallel_loop3A_239 = tpu.vector_load %arg24[%parallel_loop3A_238] {strides = array<i32>} : memref<4000xf32, #tpu.memory_space<vmem>>, vector<16xf32>,
        %parallel_loop3A_240 = tpu.vector_load_idx %arg9[%parallel_loop3A_235] : memref<10000xf32, #tpu.memory_space<vmem>>[vector<16xi32>], vector<16xf32>,
        %parallel_loop3A_241 = arith.mulf %parallel_loop3A_240, %parallel_loop3A_239 : vector<16xf32>
        tpu.vector_store_idx %arg13[%parallel_loop3A_237], %parallel_loop3A_241 {add = true} : memref<10000xf32, #tpu.memory_space<vmem>>[vector<16xi32>], vector<16xf32>,
        %parallel_loop3A_242 = tpu.vector_load_idx %arg10[%parallel_loop3A_235] : memref<10000xf32, #tpu.memory_space<vmem>>[vector<16xi32>], vector<16xf32>,
        %parallel_loop3A_243 = arith.mulf %parallel_loop3A_242, %parallel_loop3A_239 : vector<16xf32>
        tpu.vector_store_idx %arg14[%parallel_loop3A_237], %parallel_loop3A_243 {add = true} : memref<10000xf32, #tpu.memory_space<vmem>>[vector<16xi32>], vector<16xf32>,
        %parallel_loop3A_244 = tpu.vector_load_idx %arg11[%parallel_loop3A_235] : memref<10000xf32, #tpu.memory_space<vmem>>[vector<16xi32>], vector<16xf32>,
        %parallel_loop3A_245 = arith.mulf %parallel_loop3A_244, %parallel_loop3A_239 : vector<16xf32>
        tpu.vector_store_idx %arg15[%parallel_loop3A_237], %parallel_loop3A_245 {add = true} : memref<10000xf32, #tpu.memory_space<vmem>>[vector<16xi32>], vector<16xf32>,
        %parallel_loop3A_246 = tpu.vector_load_idx %arg12[%parallel_loop3A_235] : memref<10000xf32, #tpu.memory_space<vmem>>[vector<16xi32>], vector<16xf32>,
        %parallel_loop3A_247 = arith.mulf %parallel_loop3A_246, %parallel_loop3A_239 : vector<16xf32>
        tpu.vector_store_idx %arg16[%parallel_loop3A_237], %parallel_loop3A_247 {add = true} : memref<10000xf32, #tpu.memory_space<vmem>>[vector<16xi32>], vector<16xf32>,
      } {sc.loop_unroll_factor = 8 : i64, sc.parallel_access}
      %jit3A_202 = arith.constant 2 : i32
      %eq3A_203 = arith.constant 0 : i32
      %eq3A_204 = arith.cmpi eq, %jit3A_202, %eq3A_203 : i32
      %jit3A_205 = arith.constant 1 : i32
      %select_n3A_206 = arith.select %eq3A_204, %jit3A_205, %jit3A_202 : i32
      %rem3A_207 = arith.remsi %add3A_198, %select_n3A_206 : i32
      %ne3A_208 = arith.constant 0 : i32
      %ne3A_209 = arith.cmpi ne, %rem3A_207, %ne3A_208 : i32
      %lt3A_210 = arith.constant 0 : i32
      %lt3A_211 = arith.cmpi slt, %rem3A_207, %lt3A_210 : i32
      %lt3A_212 = arith.constant 0 : i32
      %lt3A_213 = arith.cmpi slt, %select_n3A_206, %lt3A_212 : i32
      %ne3A_214 = arith.xori %lt3A_211, %lt3A_213 : i1
      %and3A_215 = arith.andi %ne3A_214, %ne3A_209 : i1
      %add3A_216 = arith.addi %rem3A_207, %select_n3A_206 : i32
      %select_n3A_217 = arith.select %and3A_215, %add3A_216, %rem3A_207 : i32
      %eq3A_218 = arith.cmpi eq, %select_n3A_217, %select_n3A_30 : i32
      %convert_element_type3A_219 = arith.extui %eq3A_218 : i1 to i32
      %cond3A_220 = arith.constant 0 : i32
      %cond3A_221 = arith.cmpi ne, %convert_element_type3A_219, %cond3A_220 : i32
      scf.if %cond3A_221 {
        %parallel_loop3A_231 = arith.constant 0 : i32
        %parallel_loop3A_232 = arith.constant 250 : i32
        %parallel_loop3A_233 = arith.constant 1 : i32
        scf.for %parallel_loop3A_234 = %parallel_loop3A_231 to %parallel_loop3A_232 step %parallel_loop3A_233  : i32 {
          %parallel_loop3A_235 = arith.constant 16 : i32
          %parallel_loop3A_236 = arith.muli %parallel_loop3A_234, %parallel_loop3A_235 : i32
          %parallel_loop3A_237 = arith.index_cast %parallel_loop3A_236 : i32 to index
          %parallel_loop3A_238 = tpu.vector_load %arg23[%parallel_loop3A_237] {strides = array<i32>} : memref<4000xi32, #tpu.memory_space<vmem>>, vector<16xi32>,
          %parallel_loop3A_239 = arith.index_cast %parallel_loop3A_236 : i32 to index
          %parallel_loop3A_240 = tpu.vector_load %arg24[%parallel_loop3A_239] {strides = array<i32>} : memref<4000xf32, #tpu.memory_space<vmem>>, vector<16xf32>,
          %parallel_loop3A_241 = arith.index_cast %parallel_loop3A_236 : i32 to index
          %parallel_loop3A_242 = tpu.vector_load %arg25[%parallel_loop3A_241] {strides = array<i32>} : memref<4000xf32, #tpu.memory_space<vmem>>, vector<16xf32>,
          %parallel_loop3A_243 = arith.mulf %parallel_loop3A_242, %parallel_loop3A_240 : vector<16xf32>
          tpu.vector_store_idx %arg17[%parallel_loop3A_238], %parallel_loop3A_243 {add = true} : memref<10000xf32, #tpu.memory_space<vmem>>[vector<16xi32>], vector<16xf32>,
        } {sc.loop_unroll_factor = 8 : i64, sc.parallel_access}
      } else {
      }
      %dma_wait3A_222 = tpu.memref_slice %arg2[%mul3A_185] : memref<320000xi32, #tpu.memory_space<hbm>> -> memref<4000xi32, #tpu.memory_space<hbm>>
      %dma_wait3A_223 = tpu.memref_slice %arg2[%mul3A_185] : memref<320000xi32, #tpu.memory_space<hbm>> -> memref<4000xi32, #tpu.memory_space<hbm>>
      tpu.wait_dma2 semaphore(%arg26 : memref<!tpu.dma_semaphore, #tpu.memory_space<semaphore_mem>>) src(%dma_wait3A_223 : memref<4000xi32, #tpu.memory_space<hbm>>) dst(%arg18 : memref<4000xi32, #tpu.memory_space<vmem>>)
      %dma_wait3A_224 = tpu.memref_slice %arg3[%mul3A_185] : memref<320000xi32, #tpu.memory_space<hbm>> -> memref<4000xi32, #tpu.memory_space<hbm>>
      %dma_wait3A_225 = tpu.memref_slice %arg3[%mul3A_185] : memref<320000xi32, #tpu.memory_space<hbm>> -> memref<4000xi32, #tpu.memory_space<hbm>>
      tpu.wait_dma2 semaphore(%arg26 : memref<!tpu.dma_semaphore, #tpu.memory_space<semaphore_mem>>) src(%dma_wait3A_225 : memref<4000xi32, #tpu.memory_space<hbm>>) dst(%arg19 : memref<4000xi32, #tpu.memory_space<vmem>>)
      %dma_wait3A_226 = tpu.memref_slice %arg4[%mul3A_185] : memref<320000xf32, #tpu.memory_space<hbm>> -> memref<4000xf32, #tpu.memory_space<hbm>>
      %dma_wait3A_227 = tpu.memref_slice %arg4[%mul3A_185] : memref<320000xf32, #tpu.memory_space<hbm>> -> memref<4000xf32, #tpu.memory_space<hbm>>
      tpu.wait_dma2 semaphore(%arg26 : memref<!tpu.dma_semaphore, #tpu.memory_space<semaphore_mem>>) src(%dma_wait3A_227 : memref<4000xf32, #tpu.memory_space<hbm>>) dst(%arg20 : memref<4000xf32, #tpu.memory_space<vmem>>)
      %dma_wait3A_228 = tpu.memref_slice %arg6[%add3A_188] : memref<5120000xf32, #tpu.memory_space<hbm>> -> memref<4000xf32, #tpu.memory_space<hbm>>
      %dma_wait3A_229 = tpu.memref_slice %arg6[%add3A_188] : memref<5120000xf32, #tpu.memory_space<hbm>> -> memref<4000xf32, #tpu.memory_space<hbm>>
      tpu.wait_dma2 semaphore(%arg26 : memref<!tpu.dma_semaphore, #tpu.memory_space<semaphore_mem>>) src(%dma_wait3A_229 : memref<4000xf32, #tpu.memory_space<hbm>>) dst(%arg21 : memref<4000xf32, #tpu.memory_space<vmem>>)
      %scan3A_230 = arith.constant 0 : i32
      scf.yield %scan3A_230 : i32
    }
    %scan3A_105 = arith.constant 40 : i32
    %mul3A_106 = arith.constant 4 : i32
    %mul3A_107 = arith.muli %add3A, %mul3A_106 : i32
    %add3A_108 = arith.constant 0 : i32
    %add3A_109 = arith.addi %mul3A_107, %add3A_108 : i32
    %mul3A_110 = arith.constant 10000 : i32
    %mul3A_111 = arith.muli %add3A_109, %mul3A_110 : i32
    "tpu.region"() ({
      %run_scoped3A = tpu.sem_alloc : memref<!tpu.dma_semaphore, #tpu.memory_space<semaphore_mem>>
      %dma_start3A_132 = tpu.memref_slice %arg7[%mul3A_111] : memref<1280000xf32, #tpu.memory_space<hbm>> -> memref<10000xf32, #tpu.memory_space<hbm>>
      %dma_start3A_133 = tpu.memref_slice %arg7[%mul3A_111] : memref<1280000xf32, #tpu.memory_space<hbm>> -> memref<10000xf32, #tpu.memory_space<hbm>>
      tpu.enqueue_dma source(%arg13 : memref<10000xf32, #tpu.memory_space<vmem>>) target(%dma_start3A_133 : memref<10000xf32, #tpu.memory_space<hbm>>) target_semaphore(%run_scoped3A : memref<!tpu.dma_semaphore, #tpu.memory_space<semaphore_mem>>)
      %dma_wait3A_134 = tpu.memref_slice %arg7[%mul3A_111] : memref<1280000xf32, #tpu.memory_space<hbm>> -> memref<10000xf32, #tpu.memory_space<hbm>>
      %dma_wait3A_135 = tpu.memref_slice %arg7[%mul3A_111] : memref<1280000xf32, #tpu.memory_space<hbm>> -> memref<10000xf32, #tpu.memory_space<hbm>>
      tpu.wait_dma2 semaphore(%run_scoped3A : memref<!tpu.dma_semaphore, #tpu.memory_space<semaphore_mem>>) src(%arg13 : memref<10000xf32, #tpu.memory_space<vmem>>) dst(%dma_wait3A_135 : memref<10000xf32, #tpu.memory_space<hbm>>)
      tpu.yield
    }) : () -> ()
    %mul3A_112 = arith.constant 4 : i32
    %mul3A_113 = arith.muli %add3A, %mul3A_112 : i32
    %add3A_114 = arith.constant 1 : i32
    %add3A_115 = arith.addi %mul3A_113, %add3A_114 : i32
    %mul3A_116 = arith.constant 10000 : i32
    %mul3A_117 = arith.muli %add3A_115, %mul3A_116 : i32
    "tpu.region"() ({
      %run_scoped3A = tpu.sem_alloc : memref<!tpu.dma_semaphore, #tpu.memory_space<semaphore_mem>>
      %dma_start3A_132 = tpu.memref_slice %arg7[%mul3A_117] : memref<1280000xf32, #tpu.memory_space<hbm>> -> memref<10000xf32, #tpu.memory_space<hbm>>
      %dma_start3A_133 = tpu.memref_slice %arg7[%mul3A_117] : memref<1280000xf32, #tpu.memory_space<hbm>> -> memref<10000xf32, #tpu.memory_space<hbm>>
      tpu.enqueue_dma source(%arg14 : memref<10000xf32, #tpu.memory_space<vmem>>) target(%dma_start3A_133 : memref<10000xf32, #tpu.memory_space<hbm>>) target_semaphore(%run_scoped3A : memref<!tpu.dma_semaphore, #tpu.memory_space<semaphore_mem>>)
      %dma_wait3A_134 = tpu.memref_slice %arg7[%mul3A_117] : memref<1280000xf32, #tpu.memory_space<hbm>> -> memref<10000xf32, #tpu.memory_space<hbm>>
      %dma_wait3A_135 = tpu.memref_slice %arg7[%mul3A_117] : memref<1280000xf32, #tpu.memory_space<hbm>> -> memref<10000xf32, #tpu.memory_space<hbm>>
      tpu.wait_dma2 semaphore(%run_scoped3A : memref<!tpu.dma_semaphore, #tpu.memory_space<semaphore_mem>>) src(%arg14 : memref<10000xf32, #tpu.memory_space<vmem>>) dst(%dma_wait3A_135 : memref<10000xf32, #tpu.memory_space<hbm>>)
      tpu.yield
    }) : () -> ()
    %mul3A_118 = arith.constant 4 : i32
    %mul3A_119 = arith.muli %add3A, %mul3A_118 : i32
    %add3A_120 = arith.constant 2 : i32
    %add3A_121 = arith.addi %mul3A_119, %add3A_120 : i32
    %mul3A_122 = arith.constant 10000 : i32
    %mul3A_123 = arith.muli %add3A_121, %mul3A_122 : i32
    "tpu.region"() ({
      %run_scoped3A = tpu.sem_alloc : memref<!tpu.dma_semaphore, #tpu.memory_space<semaphore_mem>>
      %dma_start3A_132 = tpu.memref_slice %arg7[%mul3A_123] : memref<1280000xf32, #tpu.memory_space<hbm>> -> memref<10000xf32, #tpu.memory_space<hbm>>
      %dma_start3A_133 = tpu.memref_slice %arg7[%mul3A_123] : memref<1280000xf32, #tpu.memory_space<hbm>> -> memref<10000xf32, #tpu.memory_space<hbm>>
      tpu.enqueue_dma source(%arg15 : memref<10000xf32, #tpu.memory_space<vmem>>) target(%dma_start3A_133 : memref<10000xf32, #tpu.memory_space<hbm>>) target_semaphore(%run_scoped3A : memref<!tpu.dma_semaphore, #tpu.memory_space<semaphore_mem>>)
      %dma_wait3A_134 = tpu.memref_slice %arg7[%mul3A_123] : memref<1280000xf32, #tpu.memory_space<hbm>> -> memref<10000xf32, #tpu.memory_space<hbm>>
      %dma_wait3A_135 = tpu.memref_slice %arg7[%mul3A_123] : memref<1280000xf32, #tpu.memory_space<hbm>> -> memref<10000xf32, #tpu.memory_space<hbm>>
      tpu.wait_dma2 semaphore(%run_scoped3A : memref<!tpu.dma_semaphore, #tpu.memory_space<semaphore_mem>>) src(%arg15 : memref<10000xf32, #tpu.memory_space<vmem>>) dst(%dma_wait3A_135 : memref<10000xf32, #tpu.memory_space<hbm>>)
      tpu.yield
    }) : () -> ()
    %mul3A_124 = arith.constant 4 : i32
    %mul3A_125 = arith.muli %add3A, %mul3A_124 : i32
    %add3A_126 = arith.constant 3 : i32
    %add3A_127 = arith.addi %mul3A_125, %add3A_126 : i32
    %mul3A_128 = arith.constant 10000 : i32
    %mul3A_129 = arith.muli %add3A_127, %mul3A_128 : i32
    "tpu.region"() ({
      %run_scoped3A = tpu.sem_alloc : memref<!tpu.dma_semaphore, #tpu.memory_space<semaphore_mem>>
      %dma_start3A_132 = tpu.memref_slice %arg7[%mul3A_129] : memref<1280000xf32, #tpu.memory_space<hbm>> -> memref<10000xf32, #tpu.memory_space<hbm>>
      %dma_start3A_133 = tpu.memref_slice %arg7[%mul3A_129] : memref<1280000xf32, #tpu.memory_space<hbm>> -> memref<10000xf32, #tpu.memory_space<hbm>>
      tpu.enqueue_dma source(%arg16 : memref<10000xf32, #tpu.memory_space<vmem>>) target(%dma_start3A_133 : memref<10000xf32, #tpu.memory_space<hbm>>) target_semaphore(%run_scoped3A : memref<!tpu.dma_semaphore, #tpu.memory_space<semaphore_mem>>)
      %dma_wait3A_134 = tpu.memref_slice %arg7[%mul3A_129] : memref<1280000xf32, #tpu.memory_space<hbm>> -> memref<10000xf32, #tpu.memory_space<hbm>>
      %dma_wait3A_135 = tpu.memref_slice %arg7[%mul3A_129] : memref<1280000xf32, #tpu.memory_space<hbm>> -> memref<10000xf32, #tpu.memory_space<hbm>>
      tpu.wait_dma2 semaphore(%run_scoped3A : memref<!tpu.dma_semaphore, #tpu.memory_space<semaphore_mem>>) src(%arg16 : memref<10000xf32, #tpu.memory_space<vmem>>) dst(%dma_wait3A_135 : memref<10000xf32, #tpu.memory_space<hbm>>)
      tpu.yield
    }) : () -> ()
    %mul3A_130 = arith.constant 10000 : i32
    %mul3A_131 = arith.muli %add3A, %mul3A_130 : i32
    "tpu.region"() ({
      %run_scoped3A = tpu.sem_alloc : memref<!tpu.dma_semaphore, #tpu.memory_space<semaphore_mem>>
      %dma_start3A_132 = tpu.memref_slice %arg8[%mul3A_131] : memref<320000xf32, #tpu.memory_space<hbm>> -> memref<10000xf32, #tpu.memory_space<hbm>>
      %dma_start3A_133 = tpu.memref_slice %arg8[%mul3A_131] : memref<320000xf32, #tpu.memory_space<hbm>> -> memref<10000xf32, #tpu.memory_space<hbm>>
      tpu.enqueue_dma source(%arg17 : memref<10000xf32, #tpu.memory_space<vmem>>) target(%dma_start3A_133 : memref<10000xf32, #tpu.memory_space<hbm>>) target_semaphore(%run_scoped3A : memref<!tpu.dma_semaphore, #tpu.memory_space<semaphore_mem>>)
      %dma_wait3A_134 = tpu.memref_slice %arg8[%mul3A_131] : memref<320000xf32, #tpu.memory_space<hbm>> -> memref<10000xf32, #tpu.memory_space<hbm>>
      %dma_wait3A_135 = tpu.memref_slice %arg8[%mul3A_131] : memref<320000xf32, #tpu.memory_space<hbm>> -> memref<10000xf32, #tpu.memory_space<hbm>>
      tpu.wait_dma2 semaphore(%run_scoped3A : memref<!tpu.dma_semaphore, #tpu.memory_space<semaphore_mem>>) src(%arg17 : memref<10000xf32, #tpu.memory_space<vmem>>) dst(%dma_wait3A_135 : memref<10000xf32, #tpu.memory_space<hbm>>)
      tpu.yield
    }) : () -> ()
    return
  }
}

#map = affine_map<(d0, d1) -> (0)>
module attributes {stable_mosaic.version = 14 : i64} {
  func.func @_cross_logit_body(%arg0: i32, %arg1: i32, %arg2: memref<10000xf32, #tpu.memory_space<hbm>>, %arg3: memref<10000xf32, #tpu.memory_space<hbm>>, %arg4: memref<320000xi32, #tpu.memory_space<hbm>>, %arg5: memref<320000xi32, #tpu.memory_space<hbm>>, %arg6: memref<320000xf32, #tpu.memory_space<hbm>>, %arg7: memref<320000xf32, #tpu.memory_space<hbm>>, %arg8: memref<10000xf32, #tpu.memory_space<vmem>>, %arg9: memref<10000xf32, #tpu.memory_space<vmem>>, %arg10: memref<10000xi32, #tpu.memory_space<vmem>>, %arg11: memref<10000xi32, #tpu.memory_space<vmem>>, %arg12: memref<10000xf32, #tpu.memory_space<vmem>>, %arg13: memref<10000xf32, #tpu.memory_space<vmem>>) attributes {dimension_semantics = [#tpu.dimension_semantics<core_parallel>, #tpu.dimension_semantics<subcore_parallel>], iteration_bounds = array<i64: 2, 16>, scalar_prefetch = 0 : i64, scratch_operands = 6 : i64, tpu.core_type = #tpu.core_type<sc_vector_subcore>, window_params = [{transform_indices = #map}, {transform_indices = #map}, {transform_indices = #map}, {transform_indices = #map}, {transform_indices = #map}, {transform_indices = #map}]} {
    %mul3A = arith.constant 2 : i32
    %mul3A_0 = arith.muli %arg1, %mul3A : i32
    %add3A = arith.addi %mul3A_0, %arg0 : i32
    %mul3A_1 = arith.constant 10000 : i32
    %mul3A_2 = arith.muli %add3A, %mul3A_1 : i32
    "tpu.region"() ({
      %run_scoped3A = tpu.sem_alloc : memref<!tpu.dma_semaphore, #tpu.memory_space<semaphore_mem>>
      tpu.enqueue_dma source(%arg2 : memref<10000xf32, #tpu.memory_space<hbm>>) target(%arg8 : memref<10000xf32, #tpu.memory_space<vmem>>) target_semaphore(%run_scoped3A : memref<!tpu.dma_semaphore, #tpu.memory_space<semaphore_mem>>)
      tpu.wait_dma2 semaphore(%run_scoped3A : memref<!tpu.dma_semaphore, #tpu.memory_space<semaphore_mem>>) src(%arg2 : memref<10000xf32, #tpu.memory_space<hbm>>) dst(%arg8 : memref<10000xf32, #tpu.memory_space<vmem>>)
      tpu.yield
    }) : () -> ()
    "tpu.region"() ({
      %run_scoped3A = tpu.sem_alloc : memref<!tpu.dma_semaphore, #tpu.memory_space<semaphore_mem>>
      tpu.enqueue_dma source(%arg3 : memref<10000xf32, #tpu.memory_space<hbm>>) target(%arg9 : memref<10000xf32, #tpu.memory_space<vmem>>) target_semaphore(%run_scoped3A : memref<!tpu.dma_semaphore, #tpu.memory_space<semaphore_mem>>)
      tpu.wait_dma2 semaphore(%run_scoped3A : memref<!tpu.dma_semaphore, #tpu.memory_space<semaphore_mem>>) src(%arg3 : memref<10000xf32, #tpu.memory_space<hbm>>) dst(%arg9 : memref<10000xf32, #tpu.memory_space<vmem>>)
      tpu.yield
    }) : () -> ()
    "tpu.region"() ({
      %run_scoped3A = tpu.sem_alloc : memref<!tpu.dma_semaphore, #tpu.memory_space<semaphore_mem>>
      %dma_start3A = tpu.memref_slice %arg4[%mul3A_2] : memref<320000xi32, #tpu.memory_space<hbm>> -> memref<10000xi32, #tpu.memory_space<hbm>>
      %dma_start3A_5 = tpu.memref_slice %arg4[%mul3A_2] : memref<320000xi32, #tpu.memory_space<hbm>> -> memref<10000xi32, #tpu.memory_space<hbm>>
      tpu.enqueue_dma source(%dma_start3A_5 : memref<10000xi32, #tpu.memory_space<hbm>>) target(%arg10 : memref<10000xi32, #tpu.memory_space<vmem>>) target_semaphore(%run_scoped3A : memref<!tpu.dma_semaphore, #tpu.memory_space<semaphore_mem>>)
      %dma_wait3A = tpu.memref_slice %arg4[%mul3A_2] : memref<320000xi32, #tpu.memory_space<hbm>> -> memref<10000xi32, #tpu.memory_space<hbm>>
      %dma_wait3A_6 = tpu.memref_slice %arg4[%mul3A_2] : memref<320000xi32, #tpu.memory_space<hbm>> -> memref<10000xi32, #tpu.memory_space<hbm>>
      tpu.wait_dma2 semaphore(%run_scoped3A : memref<!tpu.dma_semaphore, #tpu.memory_space<semaphore_mem>>) src(%dma_wait3A_6 : memref<10000xi32, #tpu.memory_space<hbm>>) dst(%arg10 : memref<10000xi32, #tpu.memory_space<vmem>>)
      tpu.yield
    }) : () -> ()
    "tpu.region"() ({
      %run_scoped3A = tpu.sem_alloc : memref<!tpu.dma_semaphore, #tpu.memory_space<semaphore_mem>>
      %dma_start3A = tpu.memref_slice %arg5[%mul3A_2] : memref<320000xi32, #tpu.memory_space<hbm>> -> memref<10000xi32, #tpu.memory_space<hbm>>
      %dma_start3A_5 = tpu.memref_slice %arg5[%mul3A_2] : memref<320000xi32, #tpu.memory_space<hbm>> -> memref<10000xi32, #tpu.memory_space<hbm>>
      tpu.enqueue_dma source(%dma_start3A_5 : memref<10000xi32, #tpu.memory_space<hbm>>) target(%arg11 : memref<10000xi32, #tpu.memory_space<vmem>>) target_semaphore(%run_scoped3A : memref<!tpu.dma_semaphore, #tpu.memory_space<semaphore_mem>>)
      %dma_wait3A = tpu.memref_slice %arg5[%mul3A_2] : memref<320000xi32, #tpu.memory_space<hbm>> -> memref<10000xi32, #tpu.memory_space<hbm>>
      %dma_wait3A_6 = tpu.memref_slice %arg5[%mul3A_2] : memref<320000xi32, #tpu.memory_space<hbm>> -> memref<10000xi32, #tpu.memory_space<hbm>>
      tpu.wait_dma2 semaphore(%run_scoped3A : memref<!tpu.dma_semaphore, #tpu.memory_space<semaphore_mem>>) src(%dma_wait3A_6 : memref<10000xi32, #tpu.memory_space<hbm>>) dst(%arg11 : memref<10000xi32, #tpu.memory_space<vmem>>)
      tpu.yield
    }) : () -> ()
    "tpu.region"() ({
      %run_scoped3A = tpu.sem_alloc : memref<!tpu.dma_semaphore, #tpu.memory_space<semaphore_mem>>
      %dma_start3A = tpu.memref_slice %arg6[%mul3A_2] : memref<320000xf32, #tpu.memory_space<hbm>> -> memref<10000xf32, #tpu.memory_space<hbm>>
      %dma_start3A_5 = tpu.memref_slice %arg6[%mul3A_2] : memref<320000xf32, #tpu.memory_space<hbm>> -> memref<10000xf32, #tpu.memory_space<hbm>>
      tpu.enqueue_dma source(%dma_start3A_5 : memref<10000xf32, #tpu.memory_space<hbm>>) target(%arg12 : memref<10000xf32, #tpu.memory_space<vmem>>) target_semaphore(%run_scoped3A : memref<!tpu.dma_semaphore, #tpu.memory_space<semaphore_mem>>)
      %dma_wait3A = tpu.memref_slice %arg6[%mul3A_2] : memref<320000xf32, #tpu.memory_space<hbm>> -> memref<10000xf32, #tpu.memory_space<hbm>>
      %dma_wait3A_6 = tpu.memref_slice %arg6[%mul3A_2] : memref<320000xf32, #tpu.memory_space<hbm>> -> memref<10000xf32, #tpu.memory_space<hbm>>
      tpu.wait_dma2 semaphore(%run_scoped3A : memref<!tpu.dma_semaphore, #tpu.memory_space<semaphore_mem>>) src(%dma_wait3A_6 : memref<10000xf32, #tpu.memory_space<hbm>>) dst(%arg12 : memref<10000xf32, #tpu.memory_space<vmem>>)
      tpu.yield
    }) : () -> ()
    %parallel_loop3A = arith.constant 0 : i32
    %parallel_loop3A_3 = arith.constant 625 : i32
    %parallel_loop3A_4 = arith.constant 1 : i32
    scf.for %parallel_loop3A_5 = %parallel_loop3A to %parallel_loop3A_3 step %parallel_loop3A_4  : i32 {
      %parallel_loop3A_6 = arith.constant 16 : i32
      %parallel_loop3A_7 = arith.muli %parallel_loop3A_5, %parallel_loop3A_6 : i32
      %parallel_loop3A_8 = arith.index_cast %parallel_loop3A_7 : i32 to index
      %parallel_loop3A_9 = tpu.vector_load %arg10[%parallel_loop3A_8] {strides = array<i32>} : memref<10000xi32, #tpu.memory_space<vmem>>, vector<16xi32>,
      %parallel_loop3A_10 = tpu.vector_load_idx %arg9[%parallel_loop3A_9] : memref<10000xf32, #tpu.memory_space<vmem>>[vector<16xi32>], vector<16xf32>,
      %parallel_loop3A_11 = arith.index_cast %parallel_loop3A_7 : i32 to index
      %parallel_loop3A_12 = tpu.vector_load %arg11[%parallel_loop3A_11] {strides = array<i32>} : memref<10000xi32, #tpu.memory_space<vmem>>, vector<16xi32>,
      %parallel_loop3A_13 = tpu.vector_load_idx %arg8[%parallel_loop3A_12] : memref<10000xf32, #tpu.memory_space<vmem>>[vector<16xi32>], vector<16xf32>,
      %parallel_loop3A_14 = arith.addf %parallel_loop3A_10, %parallel_loop3A_13 : vector<16xf32>
      %parallel_loop3A_15 = arith.index_cast %parallel_loop3A_7 : i32 to index
      %parallel_loop3A_16 = tpu.vector_load %arg12[%parallel_loop3A_15] {strides = array<i32>} : memref<10000xf32, #tpu.memory_space<vmem>>, vector<16xf32>,
      %parallel_loop3A_17 = arith.addf %parallel_loop3A_14, %parallel_loop3A_16 : vector<16xf32>
      %parallel_loop3A_18 = arith.constant 2.000000e-01 : f32
      %parallel_loop3A_19 = vector.broadcast %parallel_loop3A_18 : f32 to vector<16xf32>
      %parallel_loop3A_20 = arith.mulf %parallel_loop3A_19, %parallel_loop3A_17 : vector<16xf32>
      %parallel_loop3A_21 = arith.maximumf %parallel_loop3A_17, %parallel_loop3A_20 : vector<16xf32>
      %parallel_loop3A_22 = arith.index_cast %parallel_loop3A_7 : i32 to index
      %parallel_loop3A_23 = tpu.vector_load %arg13[%parallel_loop3A_22] {strides = array<i32>} : memref<10000xf32, #tpu.memory_space<vmem>>, vector<16xf32>,
      tpu.vector_store %arg13[%parallel_loop3A_22], %parallel_loop3A_21 {strides = array<i32>} : memref<10000xf32, #tpu.memory_space<vmem>>, vector<16xf32>,
    } {sc.loop_unroll_factor = 8 : i64, sc.parallel_access}
    "tpu.region"() ({
      %run_scoped3A = tpu.sem_alloc : memref<!tpu.dma_semaphore, #tpu.memory_space<semaphore_mem>>
      %dma_start3A = tpu.memref_slice %arg7[%mul3A_2] : memref<320000xf32, #tpu.memory_space<hbm>> -> memref<10000xf32, #tpu.memory_space<hbm>>
      %dma_start3A_5 = tpu.memref_slice %arg7[%mul3A_2] : memref<320000xf32, #tpu.memory_space<hbm>> -> memref<10000xf32, #tpu.memory_space<hbm>>
      tpu.enqueue_dma source(%arg13 : memref<10000xf32, #tpu.memory_space<vmem>>) target(%dma_start3A_5 : memref<10000xf32, #tpu.memory_space<hbm>>) target_semaphore(%run_scoped3A : memref<!tpu.dma_semaphore, #tpu.memory_space<semaphore_mem>>)
      %dma_wait3A = tpu.memref_slice %arg7[%mul3A_2] : memref<320000xf32, #tpu.memory_space<hbm>> -> memref<10000xf32, #tpu.memory_space<hbm>>
      %dma_wait3A_6 = tpu.memref_slice %arg7[%mul3A_2] : memref<320000xf32, #tpu.memory_space<hbm>> -> memref<10000xf32, #tpu.memory_space<hbm>>
      tpu.wait_dma2 semaphore(%run_scoped3A : memref<!tpu.dma_semaphore, #tpu.memory_space<semaphore_mem>>) src(%arg13 : memref<10000xf32, #tpu.memory_space<vmem>>) dst(%dma_wait3A_6 : memref<10000xf32, #tpu.memory_space<hbm>>)
      tpu.yield
    }) : () -> ()
    return
  }
}

module attributes {stable_mosaic.version = 14 : i64} {
  func.func @_node_body(%arg0: memref<10000x128xf32, #tpu.memory_space<vmem>>, %arg1: memref<10000x128xf32, #tpu.memory_space<vmem>>, %arg2: memref<128x128xf32, #tpu.memory_space<vmem>>, %arg3: memref<128x128xf32, #tpu.memory_space<vmem>>, %arg4: memref<256x1xf32, #tpu.memory_space<vmem>>, %arg5: memref<256x1xf32, #tpu.memory_space<vmem>>, %arg6: memref<10000x128xf32, #tpu.memory_space<vmem>>, %arg7: memref<128x10000xf32, #tpu.memory_space<vmem>>, %arg8: memref<10000x1xf32, #tpu.memory_space<vmem>>, %arg9: memref<10000x1xf32, #tpu.memory_space<vmem>>, %arg10: memref<10000x1xf32, #tpu.memory_space<vmem>>) attributes {dimension_semantics = [], scalar_prefetch = 0 : i64, scratch_operands = 0 : i64, tpu.core_type = #tpu.core_type<tc>} {
    %get3A = arith.constant 0 : index
    %get3A_0 = arith.constant 0 : index
    %get3A_1 = vector.load %arg0[%get3A, %get3A_0] : memref<10000x128xf32, #tpu.memory_space<vmem>>, vector<10000x128xf32>
    %get3A_2 = arith.constant 0 : index
    %get3A_3 = arith.constant 0 : index
    %get3A_4 = vector.load %arg2[%get3A_2, %get3A_3] : memref<128x128xf32, #tpu.memory_space<vmem>>, vector<128x128xf32>
    %dot_general3A = arith.constant dense<0.000000e+00> : vector<10000x128xf32>
    %dot_general3A_5 = tpu.matmul %get3A_1, %get3A_4, %dot_general3A {dimension_numbers = #tpu.dot_dimension_numbers<[1], [1], [0], [0], [0, 0, 1, 0], [], []>, transpose_lhs_hint = false} : vector<10000x128xf32>, vector<128x128xf32>, vector<10000x128xf32> -> vector<10000x128xf32>
    %get3A_6 = arith.constant 0 : index
    %get3A_7 = arith.constant 0 : index
    %get3A_8 = vector.load %arg1[%get3A_6, %get3A_7] : memref<10000x128xf32, #tpu.memory_space<vmem>>, vector<10000x128xf32>
    %get3A_9 = arith.constant 0 : index
    %get3A_10 = arith.constant 0 : index
    %get3A_11 = vector.load %arg3[%get3A_9, %get3A_10] : memref<128x128xf32, #tpu.memory_space<vmem>>, vector<128x128xf32>
    %dot_general3A_12 = arith.constant dense<0.000000e+00> : vector<10000x128xf32>
    %dot_general3A_13 = tpu.matmul %get3A_8, %get3A_11, %dot_general3A_12 {dimension_numbers = #tpu.dot_dimension_numbers<[1], [1], [0], [0], [0, 0, 1, 0], [], []>, transpose_lhs_hint = false} : vector<10000x128xf32>, vector<128x128xf32>, vector<10000x128xf32> -> vector<10000x128xf32>
    %swap3A = arith.constant 0 : index
    %swap3A_14 = arith.constant 0 : index
    %swap3A_15 = vector.load %arg6[%swap3A, %swap3A_14] : memref<10000x128xf32, #tpu.memory_space<vmem>>, vector<10000x128xf32>
    tpu.vector_store %arg6[%swap3A, %swap3A_14], %dot_general3A_5 {strides = array<i32>} : memref<10000x128xf32, #tpu.memory_space<vmem>>, vector<10000x128xf32>,
    %iota3A = tpu.iota {dimensions = array<i32: 0>} : vector<128x128xi32>
    %iota3A_16 = tpu.iota {dimensions = array<i32: 1>} : vector<128x128xi32>
    %eq3A = arith.cmpi eq, %iota3A, %iota3A_16 : vector<128x128xi32>
    %jit3A = arith.constant 1.000000e+00 : f32
    %jit3A_17 = arith.constant 0.000000e+00 : f32
    %broadcast_in_dim3A = vector.broadcast %jit3A : f32 to vector<128x128xf32>
    %broadcast_in_dim3A_18 = vector.broadcast %jit3A_17 : f32 to vector<128x128xf32>
    %select_n3A = arith.select %eq3A, %broadcast_in_dim3A, %broadcast_in_dim3A_18 : vector<128x128xi1>, vector<128x128xf32>
    %dot_general3A_19 = arith.constant dense<0.000000e+00> : vector<128x10000xf32>
    %dot_general3A_20 = tpu.matmul %select_n3A, %dot_general3A_13, %dot_general3A_19 {dimension_numbers = #tpu.dot_dimension_numbers<[1], [1], [0], [0], [0, 0, 1, 0], [], []>, precision = #tpu.contract_precision<fp32>, transpose_lhs_hint = false} : vector<128x128xf32>, vector<10000x128xf32>, vector<128x10000xf32> -> vector<128x10000xf32>
    %swap3A_21 = arith.constant 0 : index
    %swap3A_22 = arith.constant 0 : index
    %swap3A_23 = vector.load %arg7[%swap3A_21, %swap3A_22] : memref<128x10000xf32, #tpu.memory_space<vmem>>, vector<128x10000xf32>
    tpu.vector_store %arg7[%swap3A_21, %swap3A_22], %dot_general3A_20 {strides = array<i32>} : memref<128x10000xf32, #tpu.memory_space<vmem>>, vector<128x10000xf32>,
    %convert_element_type3A = arith.truncf %dot_general3A_5 : vector<10000x128xf32> to vector<10000x128xbf16>
    %convert_element_type3A_24 = arith.extf %convert_element_type3A : vector<10000x128xbf16> to vector<10000x128xf32>
    %convert_element_type3A_25 = arith.truncf %dot_general3A_13 : vector<10000x128xf32> to vector<10000x128xbf16>
    %convert_element_type3A_26 = arith.extf %convert_element_type3A_25 : vector<10000x128xbf16> to vector<10000x128xf32>
    %get3A_27 = arith.constant 0 : index
    %get3A_28 = arith.constant 0 : index
    %get3A_29 = vector.load %arg4[%get3A_27, %get3A_28] : memref<256x1xf32, #tpu.memory_space<vmem>>, vector<128x1xf32>
    %get3A_30 = vector.shape_cast %get3A_29 : vector<128x1xf32> to vector<128xf32>
    %convert_element_type3A_31 = arith.truncf %get3A_30 : vector<128xf32> to vector<128xbf16>
    %convert_element_type3A_32 = arith.extf %convert_element_type3A_31 : vector<128xbf16> to vector<128xf32>
    %get3A_33 = arith.constant 128 : index
    %get3A_34 = arith.constant 0 : index
    %get3A_35 = vector.load %arg4[%get3A_33, %get3A_34] : memref<256x1xf32, #tpu.memory_space<vmem>>, vector<128x1xf32>
    %get3A_36 = vector.shape_cast %get3A_35 : vector<128x1xf32> to vector<128xf32>
    %convert_element_type3A_37 = arith.truncf %get3A_36 : vector<128xf32> to vector<128xbf16>
    %convert_element_type3A_38 = arith.extf %convert_element_type3A_37 : vector<128xbf16> to vector<128xf32>
    %add3A = arith.addf %convert_element_type3A_32, %convert_element_type3A_38 : vector<128xf32>
    %get3A_39 = arith.constant 0 : index
    %get3A_40 = arith.constant 0 : index
    %get3A_41 = vector.load %arg5[%get3A_39, %get3A_40] : memref<256x1xf32, #tpu.memory_space<vmem>>, vector<128x1xf32>
    %get3A_42 = vector.shape_cast %get3A_41 : vector<128x1xf32> to vector<128xf32>
    %convert_element_type3A_43 = arith.truncf %get3A_42 : vector<128xf32> to vector<128xbf16>
    %convert_element_type3A_44 = arith.extf %convert_element_type3A_43 : vector<128xbf16> to vector<128xf32>
    %get3A_45 = arith.constant 128 : index
    %get3A_46 = arith.constant 0 : index
    %get3A_47 = vector.load %arg5[%get3A_45, %get3A_46] : memref<256x1xf32, #tpu.memory_space<vmem>>, vector<128x1xf32>
    %get3A_48 = vector.shape_cast %get3A_47 : vector<128x1xf32> to vector<128xf32>
    %convert_element_type3A_49 = arith.truncf %get3A_48 : vector<128xf32> to vector<128xbf16>
    %convert_element_type3A_50 = arith.extf %convert_element_type3A_49 : vector<128xbf16> to vector<128xf32>
    %broadcast_in_dim3A_51 = vector.shape_cast %add3A : vector<128xf32> to vector<1x128xf32>
    %mul3A = vector.broadcast %broadcast_in_dim3A_51 : vector<1x128xf32> to vector<10000x128xf32>
    %mul3A_52 = arith.mulf %convert_element_type3A_24, %mul3A : vector<10000x128xf32>
    %reduce_sum3A = arith.constant dense<0.000000e+00> : vector<10000xf32>
    %reduce_sum3A_53 = vector.multi_reduction <add>, %mul3A_52, %reduce_sum3A [1] : vector<10000x128xf32> to vector<10000xf32>
    %broadcast_in_dim3A_54 = vector.shape_cast %reduce_sum3A_53 : vector<10000xf32> to vector<10000x1xf32>
    %mul3A_55 = arith.constant 2.000000e-01 : f32
    %mul3A_56 = vector.broadcast %mul3A_55 : f32 to vector<10000x1xf32>
    %mul3A_57 = arith.mulf %mul3A_56, %broadcast_in_dim3A_54 : vector<10000x1xf32>
    %max3A = arith.maximumf %broadcast_in_dim3A_54, %mul3A_57 : vector<10000x1xf32>
    %swap3A_58 = arith.constant 0 : index
    %swap3A_59 = arith.constant 0 : index
    %swap3A_60 = vector.load %arg8[%swap3A_58, %swap3A_59] : memref<10000x1xf32, #tpu.memory_space<vmem>>, vector<10000x1xf32>
    tpu.vector_store %arg8[%swap3A_58, %swap3A_59], %max3A {strides = array<i32>} : memref<10000x1xf32, #tpu.memory_space<vmem>>, vector<10000x1xf32>,
    %broadcast_in_dim3A_61 = vector.shape_cast %convert_element_type3A_44 : vector<128xf32> to vector<1x128xf32>
    %mul3A_62 = vector.broadcast %broadcast_in_dim3A_61 : vector<1x128xf32> to vector<10000x128xf32>
    %mul3A_63 = arith.mulf %convert_element_type3A_24, %mul3A_62 : vector<10000x128xf32>
    %reduce_sum3A_64 = arith.constant dense<0.000000e+00> : vector<10000xf32>
    %reduce_sum3A_65 = vector.multi_reduction <add>, %mul3A_63, %reduce_sum3A_64 [1] : vector<10000x128xf32> to vector<10000xf32>
    %broadcast_in_dim3A_66 = vector.shape_cast %reduce_sum3A_65 : vector<10000xf32> to vector<10000x1xf32>
    %swap3A_67 = arith.constant 0 : index
    %swap3A_68 = arith.constant 0 : index
    %swap3A_69 = vector.load %arg9[%swap3A_67, %swap3A_68] : memref<10000x1xf32, #tpu.memory_space<vmem>>, vector<10000x1xf32>
    tpu.vector_store %arg9[%swap3A_67, %swap3A_68], %broadcast_in_dim3A_66 {strides = array<i32>} : memref<10000x1xf32, #tpu.memory_space<vmem>>, vector<10000x1xf32>,
    %broadcast_in_dim3A_70 = vector.shape_cast %convert_element_type3A_50 : vector<128xf32> to vector<1x128xf32>
    %mul3A_71 = vector.broadcast %broadcast_in_dim3A_70 : vector<1x128xf32> to vector<10000x128xf32>
    %mul3A_72 = arith.mulf %convert_element_type3A_26, %mul3A_71 : vector<10000x128xf32>
    %reduce_sum3A_73 = arith.constant dense<0.000000e+00> : vector<10000xf32>
    %reduce_sum3A_74 = vector.multi_reduction <add>, %mul3A_72, %reduce_sum3A_73 [1] : vector<10000x128xf32> to vector<10000xf32>
    %broadcast_in_dim3A_75 = vector.shape_cast %reduce_sum3A_74 : vector<10000xf32> to vector<10000x1xf32>
    %swap3A_76 = arith.constant 0 : index
    %swap3A_77 = arith.constant 0 : index
    %swap3A_78 = vector.load %arg10[%swap3A_76, %swap3A_77] : memref<10000x1xf32, #tpu.memory_space<vmem>>, vector<10000x1xf32>
    tpu.vector_store %arg10[%swap3A_76, %swap3A_77], %broadcast_in_dim3A_75 {strides = array<i32>} : memref<10000x1xf32, #tpu.memory_space<vmem>>, vector<10000x1xf32>,
    return
  }
}

module attributes {stable_mosaic.version = 14 : i64} {
  func.func @_sea_body(%arg0: i32, %arg1: memref<1600x128xf32, #tpu.memory_space<vmem>>, %arg2: memref<128x16xf32, #tpu.memory_space<vmem>>, %arg3: memref<256x1xf32, #tpu.memory_space<vmem>>, %arg4: memref<1600x8xf32, #tpu.memory_space<vmem>>) attributes {dimension_semantics = [#tpu.dimension_semantics<arbitrary>], iteration_bounds = array<i64: 25>, scalar_prefetch = 0 : i64, scratch_operands = 0 : i64, tpu.core_type = #tpu.core_type<tc>, window_params = [{transform_indices = @transform_0, window_bounds = array<i64: 1600, 128>}, {pipeline_mode = #tpu.pipeline_mode<synchronous>, transform_indices = @transform_1, window_bounds = array<i64: 128, 16>}, {pipeline_mode = #tpu.pipeline_mode<synchronous>, transform_indices = @transform_2, window_bounds = array<i64: 256, 1>}, {transform_indices = @transform_3, window_bounds = array<i64: 1600, 8>}]} {
    %get3A = arith.constant 128 : index
    %get3A_0 = arith.constant 0 : index
    %get3A_1 = vector.load %arg3[%get3A, %get3A_0] : memref<256x1xf32, #tpu.memory_space<vmem>>, vector<128x1xf32>
    %get3A_2 = vector.shape_cast %get3A_1 : vector<128x1xf32> to vector<128xf32>
    %convert_element_type3A = arith.truncf %get3A_2 : vector<128xf32> to vector<128xbf16>
    %convert_element_type3A_3 = arith.extf %convert_element_type3A : vector<128xbf16> to vector<128xf32>
    %broadcast_in_dim3A = vector.shape_cast %convert_element_type3A_3 : vector<128xf32> to vector<128x1xf32>
    %get3A_4 = arith.constant 0 : index
    %get3A_5 = arith.constant 0 : index
    %get3A_6 = vector.load %arg2[%get3A_4, %get3A_5] : memref<128x16xf32, #tpu.memory_space<vmem>>, vector<128x16xf32>
    %convert_element_type3A_7 = arith.truncf %get3A_6 : vector<128x16xf32> to vector<128x16xbf16>
    %convert_element_type3A_8 = arith.extf %convert_element_type3A_7 : vector<128x16xbf16> to vector<128x16xf32>
    %mul3A = vector.broadcast %broadcast_in_dim3A : vector<128x1xf32> to vector<128x16xf32>
    %mul3A_9 = arith.mulf %mul3A, %convert_element_type3A_8 : vector<128x16xf32>
    %reduce_sum3A = arith.constant dense<0.000000e+00> : vector<16xf32>
    %reduce_sum3A_10 = vector.multi_reduction <add>, %mul3A_9, %reduce_sum3A [0] : vector<128x16xf32> to vector<16xf32>
    %concatenate3A = tpu.concatenate %reduce_sum3A_10, %reduce_sum3A_10, %reduce_sum3A_10, %reduce_sum3A_10, %reduce_sum3A_10, %reduce_sum3A_10, %reduce_sum3A_10, %reduce_sum3A_10 in 0 : vector<16xf32>, vector<16xf32>, vector<16xf32>, vector<16xf32>, vector<16xf32>, vector<16xf32>, vector<16xf32>, vector<16xf32> -> vector<128xf32>
    %iota3A = tpu.iota {dimensions = array<i32: 0>} : vector<128x8xi32>
    %iota3A_11 = tpu.iota {dimensions = array<i32: 1>} : vector<128x8xi32>
    %jit3A = arith.constant 16 : i32
    %div3A = vector.broadcast %jit3A : i32 to vector<128x8xi32>
    %div3A_12 = arith.divsi %iota3A, %div3A : vector<128x8xi32>
    %sign3A = arith.constant 0 : i32
    %sign3A_13 = vector.broadcast %sign3A : i32 to vector<128x8xi32>
    %sign3A_14 = arith.cmpi sgt, %iota3A, %sign3A_13 : vector<128x8xi32>
    %sign3A_15 = arith.extui %sign3A_14 : vector<128x8xi1> to vector<128x8xi32>
    %sign3A_16 = arith.constant 0 : i32
    %sign3A_17 = vector.broadcast %sign3A_16 : i32 to vector<128x8xi32>
    %sign3A_18 = arith.cmpi slt, %iota3A, %sign3A_17 : vector<128x8xi32>
    %sign3A_19 = arith.extui %sign3A_18 : vector<128x8xi1> to vector<128x8xi32>
    %sign3A_20 = arith.subi %sign3A_15, %sign3A_19 : vector<128x8xi32>
    %sign3A_21 = arith.constant 0 : i32
    %sign3A_22 = arith.cmpi sgt, %jit3A, %sign3A_21 : i32
    %sign3A_23 = arith.extui %sign3A_22 : i1 to i32
    %sign3A_24 = arith.constant 0 : i32
    %sign3A_25 = arith.cmpi slt, %jit3A, %sign3A_24 : i32
    %sign3A_26 = arith.extui %sign3A_25 : i1 to i32
    %sign3A_27 = arith.subi %sign3A_23, %sign3A_26 : i32
    %ne3A = vector.broadcast %sign3A_27 : i32 to vector<128x8xi32>
    %ne3A_28 = arith.cmpi ne, %sign3A_20, %ne3A : vector<128x8xi32>
    %rem3A = vector.broadcast %jit3A : i32 to vector<128x8xi32>
    %rem3A_29 = arith.remsi %iota3A, %rem3A : vector<128x8xi32>
    %ne3A_30 = arith.constant 0 : i32
    %ne3A_31 = vector.broadcast %ne3A_30 : i32 to vector<128x8xi32>
    %ne3A_32 = arith.cmpi ne, %rem3A_29, %ne3A_31 : vector<128x8xi32>
    %and3A = arith.andi %ne3A_28, %ne3A_32 : vector<128x8xi1>
    %sub3A = arith.constant 1 : i32
    %sub3A_33 = vector.broadcast %sub3A : i32 to vector<128x8xi32>
    %sub3A_34 = arith.subi %div3A_12, %sub3A_33 : vector<128x8xi32>
    %select_n3A = arith.select %and3A, %sub3A_34, %div3A_12 : vector<128x8xi1>, vector<128x8xi32>
    %eq3A = arith.cmpi eq, %select_n3A, %iota3A_11 : vector<128x8xi32>
    %broadcast_in_dim3A_35 = vector.shape_cast %concatenate3A : vector<128xf32> to vector<128x1xf32>
    %jit3A_36 = arith.constant 0.000000e+00 : f32
    %broadcast_in_dim3A_37 = vector.shape_cast %broadcast_in_dim3A_35 : vector<128x1xf32> to vector<128x1xf32>
    %broadcast_in_dim3A_38 = vector.broadcast %broadcast_in_dim3A_37 : vector<128x1xf32> to vector<128x8xf32>
    %broadcast_in_dim3A_39 = vector.broadcast %jit3A_36 : f32 to vector<128x8xf32>
    %select_n3A_40 = arith.select %eq3A, %broadcast_in_dim3A_38, %broadcast_in_dim3A_39 : vector<128x8xi1>, vector<128x8xf32>
    %get3A_41 = arith.constant 0 : index
    %get3A_42 = arith.constant 0 : index
    %get3A_43 = vector.load %arg1[%get3A_41, %get3A_42] : memref<1600x128xf32, #tpu.memory_space<vmem>>, vector<1600x128xf32>
    %convert_element_type3A_44 = arith.truncf %get3A_43 : vector<1600x128xf32> to vector<1600x128xbf16>
    %convert_element_type3A_45 = arith.extf %convert_element_type3A_44 : vector<1600x128xbf16> to vector<1600x128xf32>
    %dot_general3A = arith.constant dense<0.000000e+00> : vector<1600x8xf32>
    %dot_general3A_46 = tpu.matmul %convert_element_type3A_45, %select_n3A_40, %dot_general3A {dimension_numbers = #tpu.dot_dimension_numbers<[1], [0], [0], [1], [0, 0, 1, 1], [], []>, precision = #tpu.contract_precision<fp32>, transpose_lhs_hint = false} : vector<1600x128xf32>, vector<128x8xf32>, vector<1600x8xf32> -> vector<1600x8xf32>
    %swap3A = arith.constant 0 : index
    %swap3A_47 = arith.constant 0 : index
    %swap3A_48 = vector.load %arg4[%swap3A, %swap3A_47] : memref<1600x8xf32, #tpu.memory_space<vmem>>, vector<1600x8xf32>
    tpu.vector_store %arg4[%swap3A, %swap3A_47], %dot_general3A_46 {strides = array<i32>} : memref<1600x8xf32, #tpu.memory_space<vmem>>, vector<1600x8xf32>,
    return
  }
  func.func @transform_0(%arg0: i32) -> (i32, i32) {
    %c0_i32 = arith.constant 0 : i32
    %c0_i32_0 = arith.constant 0 : i32
    return %arg0, %c0_i32 : i32, i32
  }
  func.func @transform_1(%arg0: i32) -> (i32, i32) {
    %c0_i32 = arith.constant 0 : i32
    %c0_i32_0 = arith.constant 0 : i32
    %c0_i32_1 = arith.constant 0 : i32
    return %c0_i32, %c0_i32_0 : i32, i32
  }
  func.func @transform_2(%arg0: i32) -> (i32, i32) {
    %c0_i32 = arith.constant 0 : i32
    %c0_i32_0 = arith.constant 0 : i32
    %c0_i32_1 = arith.constant 0 : i32
    return %c0_i32, %c0_i32_0 : i32, i32
  }
  func.func @transform_3(%arg0: i32) -> (i32, i32) {
    %c0_i32 = arith.constant 0 : i32
    %c0_i32_0 = arith.constant 0 : i32
    return %arg0, %c0_i32 : i32, i32
  }
}

module attributes {stable_mosaic.version = 14 : i64} {
  func.func @_softmax_body(%arg0: memref<10000x1xf32, #tpu.memory_space<vmem>>, %arg1: memref<2500x128xf32, #tpu.memory_space<vmem>>, %arg2: memref<10000x1xf32, #tpu.memory_space<vmem>>, %arg3: memref<2500x128xf32, #tpu.memory_space<vmem>>) attributes {dimension_semantics = [], scalar_prefetch = 0 : i64, scratch_operands = 0 : i64, tpu.core_type = #tpu.core_type<tc>} {
    %get3A = arith.constant 0 : index
    %get3A_0 = arith.constant 0 : index
    %get3A_1 = vector.load %arg0[%get3A, %get3A_0] : memref<10000x1xf32, #tpu.memory_space<vmem>>, vector<10000x1xf32>
    %get3A_2 = arith.constant 0 : index
    %get3A_3 = arith.constant 0 : index
    %get3A_4 = vector.load %arg1[%get3A_2, %get3A_3] : memref<2500x128xf32, #tpu.memory_space<vmem>>, vector<2500x128xf32>
    %reduce_max3A = vector.shape_cast %get3A_1 : vector<10000x1xf32> to vector<1x10000x1xf32>
    %reduce_max3A_5 = arith.constant dense<0xFF800000> : vector<1xf32>
    %reduce_max3A_6 = vector.multi_reduction <maximumf>, %reduce_max3A, %reduce_max3A_5 [1, 2] : vector<1x10000x1xf32> to vector<1xf32>
    %reduce_max3A_7 = vector.shape_cast %reduce_max3A_6 : vector<1xf32> to vector<1x1x1xf32>
    %reduce_max3A_8 = vector.extract %reduce_max3A_7[0, 0, 0] : f32 from vector<1x1x1xf32>
    %reduce_max3A_9 = vector.shape_cast %get3A_4 : vector<2500x128xf32> to vector<1x2500x128xf32>
    %reduce_max3A_10 = arith.constant dense<0xFF800000> : vector<1xf32>
    %reduce_max3A_11 = vector.multi_reduction <maximumf>, %reduce_max3A_9, %reduce_max3A_10 [1, 2] : vector<1x2500x128xf32> to vector<1xf32>
    %reduce_max3A_12 = vector.shape_cast %reduce_max3A_11 : vector<1xf32> to vector<1x1x1xf32>
    %reduce_max3A_13 = vector.extract %reduce_max3A_12[0, 0, 0] : f32 from vector<1x1x1xf32>
    %max3A = arith.maximumf %reduce_max3A_8, %reduce_max3A_13 : f32
    %sub3A = vector.broadcast %max3A : f32 to vector<10000x1xf32>
    %sub3A_14 = arith.subf %get3A_1, %sub3A : vector<10000x1xf32>
    %exp3A = math.exp %sub3A_14 : vector<10000x1xf32>
    %sub3A_15 = vector.broadcast %max3A : f32 to vector<2500x128xf32>
    %sub3A_16 = arith.subf %get3A_4, %sub3A_15 : vector<2500x128xf32>
    %exp3A_17 = math.exp %sub3A_16 : vector<2500x128xf32>
    %reduce_sum3A = vector.shape_cast %exp3A : vector<10000x1xf32> to vector<1x10000x1xf32>
    %reduce_sum3A_18 = arith.constant dense<0.000000e+00> : vector<1xf32>
    %reduce_sum3A_19 = vector.multi_reduction <add>, %reduce_sum3A, %reduce_sum3A_18 [1, 2] : vector<1x10000x1xf32> to vector<1xf32>
    %reduce_sum3A_20 = vector.shape_cast %reduce_sum3A_19 : vector<1xf32> to vector<1x1x1xf32>
    %reduce_sum3A_21 = vector.extract %reduce_sum3A_20[0, 0, 0] : f32 from vector<1x1x1xf32>
    %reduce_sum3A_22 = vector.shape_cast %exp3A_17 : vector<2500x128xf32> to vector<1x2500x128xf32>
    %reduce_sum3A_23 = arith.constant dense<0.000000e+00> : vector<1xf32>
    %reduce_sum3A_24 = vector.multi_reduction <add>, %reduce_sum3A_22, %reduce_sum3A_23 [1, 2] : vector<1x2500x128xf32> to vector<1xf32>
    %reduce_sum3A_25 = vector.shape_cast %reduce_sum3A_24 : vector<1xf32> to vector<1x1x1xf32>
    %reduce_sum3A_26 = vector.extract %reduce_sum3A_25[0, 0, 0] : f32 from vector<1x1x1xf32>
    %add3A = arith.addf %reduce_sum3A_21, %reduce_sum3A_26 : f32
    %div3A = arith.constant 1.000000e+00 : f32
    %div3A_27 = arith.divf %div3A, %add3A : f32
    %mul3A = vector.broadcast %div3A_27 : f32 to vector<10000x1xf32>
    %mul3A_28 = arith.mulf %exp3A, %mul3A : vector<10000x1xf32>
    %swap3A = arith.constant 0 : index
    %swap3A_29 = arith.constant 0 : index
    %swap3A_30 = vector.load %arg2[%swap3A, %swap3A_29] : memref<10000x1xf32, #tpu.memory_space<vmem>>, vector<10000x1xf32>
    tpu.vector_store %arg2[%swap3A, %swap3A_29], %mul3A_28 {strides = array<i32>} : memref<10000x1xf32, #tpu.memory_space<vmem>>, vector<10000x1xf32>,
    %mul3A_31 = vector.broadcast %div3A_27 : f32 to vector<2500x128xf32>
    %mul3A_32 = arith.mulf %exp3A_17, %mul3A_31 : vector<2500x128xf32>
    %swap3A_33 = arith.constant 0 : index
    %swap3A_34 = arith.constant 0 : index
    %swap3A_35 = vector.load %arg3[%swap3A_33, %swap3A_34] : memref<2500x128xf32, #tpu.memory_space<vmem>>, vector<2500x128xf32>
    tpu.vector_store %arg3[%swap3A_33, %swap3A_34], %mul3A_32 {strides = array<i32>} : memref<2500x128xf32, #tpu.memory_space<vmem>>, vector<2500x128xf32>,
    return
  }
}

module attributes {stable_mosaic.version = 14 : i64} {
  func.func @_combine_body(%arg0: memref<10000x128xf32, #tpu.memory_space<vmem>>, %arg1: memref<10000x1xf32, #tpu.memory_space<vmem>>, %arg2: memref<128x10000xf32, #tpu.memory_space<vmem>>, %arg3: memref<32x10000xf32, #tpu.memory_space<vmem>>, %arg4: memref<128x16xf32, #tpu.memory_space<vmem>>, %arg5: memref<10000x128xf32, #tpu.memory_space<vmem>>) attributes {dimension_semantics = [], scalar_prefetch = 0 : i64, scratch_operands = 0 : i64, tpu.core_type = #tpu.core_type<tc>} {
    %get3A = arith.constant 0 : index
    %get3A_0 = arith.constant 0 : index
    %get3A_1 = vector.load %arg2[%get3A, %get3A_0] : memref<128x10000xf32, #tpu.memory_space<vmem>>, vector<128x10000xf32>
    %iota3A = tpu.iota {dimensions = array<i32: 0>} : vector<128x128xi32>
    %iota3A_2 = tpu.iota {dimensions = array<i32: 1>} : vector<128x128xi32>
    %eq3A = arith.cmpi eq, %iota3A, %iota3A_2 : vector<128x128xi32>
    %jit3A = arith.constant 1.000000e+00 : f32
    %jit3A_3 = arith.constant 0.000000e+00 : f32
    %broadcast_in_dim3A = vector.broadcast %jit3A : f32 to vector<128x128xf32>
    %broadcast_in_dim3A_4 = vector.broadcast %jit3A_3 : f32 to vector<128x128xf32>
    %select_n3A = arith.select %eq3A, %broadcast_in_dim3A, %broadcast_in_dim3A_4 : vector<128x128xi1>, vector<128x128xf32>
    %dot_general3A = arith.constant dense<0.000000e+00> : vector<10000x128xf32>
    %dot_general3A_5 = tpu.matmul %get3A_1, %select_n3A, %dot_general3A {dimension_numbers = #tpu.dot_dimension_numbers<[0], [0], [1], [1], [0, 1, 1, 1], [], []>, precision = #tpu.contract_precision<fp32>, transpose_lhs_hint = false} : vector<128x10000xf32>, vector<128x128xf32>, vector<10000x128xf32> -> vector<10000x128xf32>
    %get3A_6 = arith.constant 0 : index
    %get3A_7 = arith.constant 0 : index
    %get3A_8 = vector.load %arg3[%get3A_6, %get3A_7] : memref<32x10000xf32, #tpu.memory_space<vmem>>, vector<32x10000xf32>
    %iota3A_9 = tpu.iota {dimensions = array<i32: 0>} : vector<32x32xi32>
    %iota3A_10 = tpu.iota {dimensions = array<i32: 1>} : vector<32x32xi32>
    %eq3A_11 = arith.cmpi eq, %iota3A_9, %iota3A_10 : vector<32x32xi32>
    %jit3A_12 = arith.constant 1.000000e+00 : f32
    %jit3A_13 = arith.constant 0.000000e+00 : f32
    %broadcast_in_dim3A_14 = vector.broadcast %jit3A_12 : f32 to vector<32x32xf32>
    %broadcast_in_dim3A_15 = vector.broadcast %jit3A_13 : f32 to vector<32x32xf32>
    %select_n3A_16 = arith.select %eq3A_11, %broadcast_in_dim3A_14, %broadcast_in_dim3A_15 : vector<32x32xi1>, vector<32x32xf32>
    %dot_general3A_17 = arith.constant dense<0.000000e+00> : vector<10000x32xf32>
    %dot_general3A_18 = tpu.matmul %get3A_8, %select_n3A_16, %dot_general3A_17 {dimension_numbers = #tpu.dot_dimension_numbers<[0], [0], [1], [1], [0, 1, 1, 1], [], []>, precision = #tpu.contract_precision<fp32>, transpose_lhs_hint = false} : vector<32x10000xf32>, vector<32x32xf32>, vector<10000x32xf32> -> vector<10000x32xf32>
    %slice3A = vector.extract_strided_slice %dot_general3A_18 {offsets = [0, 0], sizes = [10000, 16], strides = [1, 1]} : vector<10000x32xf32> to vector<10000x16xf32>
    %slice3A_19 = vector.extract_strided_slice %dot_general3A_18 {offsets = [0, 16], sizes = [10000, 16], strides = [1, 1]} : vector<10000x32xf32> to vector<10000x16xf32>
    %add3A = arith.addf %slice3A, %slice3A_19 : vector<10000x16xf32>
    %get3A_20 = arith.constant 0 : index
    %get3A_21 = arith.constant 0 : index
    %get3A_22 = vector.load %arg4[%get3A_20, %get3A_21] : memref<128x16xf32, #tpu.memory_space<vmem>>, vector<128x16xf32>
    %dot_general3A_23 = arith.constant dense<0.000000e+00> : vector<10000x128xf32>
    %dot_general3A_24 = tpu.matmul %add3A, %get3A_22, %dot_general3A_23 {dimension_numbers = #tpu.dot_dimension_numbers<[1], [1], [0], [0], [0, 0, 1, 0], [], []>, precision = #tpu.contract_precision<fp32>, transpose_lhs_hint = false} : vector<10000x16xf32>, vector<128x16xf32>, vector<10000x128xf32> -> vector<10000x128xf32>
    %get3A_25 = arith.constant 0 : index
    %get3A_26 = arith.constant 0 : index
    %get3A_27 = vector.load %arg1[%get3A_25, %get3A_26] : memref<10000x1xf32, #tpu.memory_space<vmem>>, vector<10000x1xf32>
    %get3A_28 = arith.constant 0 : index
    %get3A_29 = arith.constant 0 : index
    %get3A_30 = vector.load %arg0[%get3A_28, %get3A_29] : memref<10000x128xf32, #tpu.memory_space<vmem>>, vector<10000x128xf32>
    %mul3A = vector.broadcast %get3A_27 : vector<10000x1xf32> to vector<10000x128xf32>
    %mul3A_31 = arith.mulf %mul3A, %get3A_30 : vector<10000x128xf32>
    %add3A_32 = arith.addf %mul3A_31, %dot_general3A_5 : vector<10000x128xf32>
    %add3A_33 = arith.addf %add3A_32, %dot_general3A_24 : vector<10000x128xf32>
    %gt3A = arith.constant 0.000000e+00 : f32
    %gt3A_34 = vector.broadcast %gt3A : f32 to vector<10000x128xf32>
    %gt3A_35 = arith.cmpf ogt, %add3A_33, %gt3A_34 : vector<10000x128xf32>
    %min3A = arith.constant 0.000000e+00 : f32
    %min3A_36 = vector.broadcast %min3A : f32 to vector<10000x128xf32>
    %min3A_37 = arith.minimumf %add3A_33, %min3A_36 : vector<10000x128xf32>
    %exp3A = math.exp %min3A_37 : vector<10000x128xf32>
    %sub3A = arith.constant 1.000000e+00 : f32
    %sub3A_38 = vector.broadcast %sub3A : f32 to vector<10000x128xf32>
    %sub3A_39 = arith.subf %exp3A, %sub3A_38 : vector<10000x128xf32>
    %select_n3A_40 = arith.select %gt3A_35, %add3A_33, %sub3A_39 : vector<10000x128xi1>, vector<10000x128xf32>
    %swap3A = arith.constant 0 : index
    %swap3A_41 = arith.constant 0 : index
    %swap3A_42 = vector.load %arg5[%swap3A, %swap3A_41] : memref<10000x128xf32, #tpu.memory_space<vmem>>, vector<10000x128xf32>
    tpu.vector_store %arg5[%swap3A, %swap3A_41], %select_n3A_40 {strides = array<i32>} : memref<10000x128xf32, #tpu.memory_space<vmem>>, vector<10000x128xf32>,
    return
  }
}

</mosaic_0001>

<sc_bundles>
// kernel: kernel.11.cloned.1.call-start
scs
__scs_entry_jumppad:
0x0: {  	(pc) =	sbr.rel $0x88, $3  }
0x1: {  	(tag) =	ssettag $0x0;
	lr =	simm.s32 $0x1  }
0x2: {  	[smem:$0x3F99] =	sst lr;
	_ =	strace $0xD0000000  }
0x3: {  	_ = 	snop  }
0x4: {  	_ = 	snop  }
0x5: {  	_ = 	snop  }
0x6: {  	_ = 	snop  }
0x7: {  	_ = 	snop  }
__scs_overlays_trampoline_lowered:
0x8: {  	[smem:$0x3FA8] =	sst s0  }
0x9: {  	[smem:$0x3FA9] =	sst s1  }
0xa: {  	[smem:$0x3FAA] =	sst s2  }
0xb: {  	[smem:$0x3FAB] =	sst s3  }
0xc: {  	[smem:$0x3FAC] =	sst s4  }
0xd: {  	[smem:$0x3FAD] =	sst s5  }
0xe: {  	[smem:$0x3FAE] =	sst s6  }
0xf: {  	[smem:$0x3FAF] =	sst s7  }
0x10: {  	[smem:$0x3FB0] =	sst s8  }
0x11: {  	[smem:$0x3FB1] =	sst s9;
	s0 =	simm.s32 @!p0 $0x0  }
0x12: {  	s1 =	sld [smem:$0x3F97];
	s0 =	simm.s32 @p0 $0x1  }
0x13: {  	[smem:$0x3FB2] =	sst s0;
	s0 =	simm.s32 @!p1 $0x0  }
0x14: {  	s2 =	sld [smem:$0x3F96];
	s0 =	simm.s32 @p1 $0x1  }
0x15: {  	[smem:$0x3FB3] =	sst s0;
	s0 =	simm.s32 @!p2 $0x0  }
0x16: {  	s3 =	sld [smem:$0x3FDB];
	s0 =	simm.s32 @p2 $0x1  }
0x17: {  	s4 =	simm.s32 $0x1BF5;
	[smem:$0x3FB5] =	sst s0  }
0x18: {  	s0 =	sld [smem:$0x3F98];
	_ =	swait.ge [sflag:s4], $0x0  }
0x19: {  	s7 =	sld [smem:$0x3F99]  }
0x1a: {  	s8 =	sadd.s32 $0xFFFFE003, lr  }
0x1b: {  	s9 =	sadd.s32 $0xFFFFFEF7, lr;
	s5 =	simm.s32 $0xFFFFFFFF;
	p2 =	slt.u32 s8, $0xFFFFF086  }
0x1c: {  	p1 =	slt.u32 s9, $0xF7A;
	s5 =	simm.s32 @!p2 $0x0  }
0x1d: {  	s5 =	simm.s32 @p1 $0x1;
	p0 =	seq.s32 s7, s2  }
0x1e: {  	s7 =	smul.u32 @!p0 $0xF7A, s2;
	p2 =	seq.s32 @!p0 s5, $0x0  }
0x1f: {  	s9 =	smul.u32 $0xF7A, s1;
	s8 =	simm.s32 @!p0 $0x1BF5;
	p2 =	por !p2, p0  }
0x20: {  	[sflag:s8] =	ssyncset.s32 @!p0 $0xFFFFF086;
	s6 =	sadd.s32 @!p0 s3, s7;
	s7 =	simm.s32 @!p0 $0x108  }
0x21: {  	s3 =	sadd.s32 s3, s9;
	s6 =	sadd.s32 @!p0 $0x88, s6;
	s7 =	simm.s32 @p2 $0x1082  }
0x22: {  	[simem:s7], [sflag:s8] =	dma.local @!p0 [hbm:s6], $0xF7A  }
0x23: {  	s9 =	sor.u32 $0xD0000000, s2;
	s6 =	simm.s32 $0x108;
	_ =	swait.ge @!p0 [sflag:s8], $0x0  }
0x24: {  	s3 =	sadd.s32 $0x88, s3;
	s6 =	simm.s32 @!p1 $0x1082;
	[sflag:s4] =	ssyncset.s32 $0xFFFFF086  }
0x25: {  	[simem:s6], [sflag:s4] =	dma.local [hbm:s3], $0xF7A  }
0x26: {  	[smem:$0x3F99] =	sst s1;
	(tag) =	ssettag s2;
	_ =	strace s9  }
0x27: {  	s1 =	sld [smem:$0x3FA9]  }
0x28: {  	s2 =	sld [smem:$0x3FAA]  }
0x29: {  	s4 =	sld [smem:$0x3FAC]  }
0x2a: {  	p0 =	seq.s32 s5, $0x0;
	s5 =	sld [smem:$0x3FAD]  }
0x2b: {  	s6 =	sld [smem:$0x3FAE]  }
0x2c: {  	s7 =	sld [smem:$0x3FAF]  }
0x2d: {  	s3 =	simm.s32 $0x108;
	s8 =	sld [smem:$0x3FB0]  }
0x2e: {  	s3 =	simm.s32 @!p0 $0x1082;
	s9 =	sld [smem:$0x3FB1]  }
0x2f: {  	lr =	sadd.s32 s0, s3;
	s0 =	sld [smem:$0x3FA8]  }
0x30: {  	s3 =	sld [smem:$0x3FAB]  }
0x31: {  	[smem:$0x3FB4] =	sst s10  }
0x32: {  	s10 =	sld [smem:$0x3FB2];
	_ =	sdelay $0x3  }
0x33: {  	p0 =	seq.s32 s10, $0x1;
	s10 =	sld [smem:$0x3FB4];
	_ =	sdelay $0x3  }
0x34: {  	[smem:$0x3FB4] =	sst s10  }
0x35: {  	s10 =	sld [smem:$0x3FB3];
	_ =	sdelay $0x3  }
0x36: {  	p1 =	seq.s32 s10, $0x1;
	s10 =	sld [smem:$0x3FB4];
	_ =	sdelay $0x3  }
0x37: {  	[smem:$0x3FB4] =	sst s10  }
0x38: {  	s10 =	sld [smem:$0x3FB5]  }
0x39: {  	_ = 	snop;
	(pc) =	sbr.ind lr, $3  }
0x3a: {  	_ = 	snop  }
0x3b: {  	_ = 	snop  }
0x3c: {  	p2 =	seq.s32 s10, $0x1;
	s10 =	sld [smem:$0x3FB4]  }
0x3d: {  	_ =	shalt  }
0x3e: {  	_ =	shalt  }
0x3f: {  	_ =	shalt  }
0x40: {  	_ =	shalt  }
0x41: {  	_ =	shalt  }
0x42: {  	_ =	shalt  }
0x43: {  	_ =	shalt  }
0x44: {  	_ =	shalt  }
0x45: {  	_ =	shalt  }
0x46: {  	_ =	shalt  }
0x47: {  	_ =	shalt  }
0x48: {  	_ =	shalt  }
0x49: {  	_ =	shalt  }
0x4a: {  	_ =	shalt  }
0x4b: {  	_ =	shalt  }
0x4c: {  	_ =	shalt  }
0x4d: {  	_ =	shalt  }
0x4e: {  	_ =	shalt  }
0x4f: {  	_ =	shalt  }
0x50: {  	_ =	shalt  }
0x51: {  	_ =	shalt  }
0x52: {  	_ =	shalt  }
0x53: {  	_ =	shalt  }
0x54: {  	_ =	shalt  }
0x55: {  	_ =	shalt  }
0x56: {  	_ =	shalt  }
0x57: {  	_ =	shalt  }
0x58: {  	_ =	shalt  }
0x59: {  	_ =	shalt  }
0x5a: {  	_ =	shalt  }
0x5b: {  	_ =	shalt  }
0x5c: {  	_ =	shalt  }
0x5d: {  	_ =	shalt  }
0x5e: {  	_ =	shalt  }
0x5f: {  	_ =	shalt  }
0x60: {  	_ =	shalt  }
0x61: {  	_ =	shalt  }
0x62: {  	_ =	shalt  }
0x63: {  	_ =	shalt  }
0x64: {  	_ =	shalt  }
0x65: {  	_ =	shalt  }
0x66: {  	_ =	shalt  }
0x67: {  	_ =	shalt  }
0x68: {  	_ =	shalt  }
0x69: {  	_ =	shalt  }
0x6a: {  	_ =	shalt  }
0x6b: {  	_ =	shalt  }
0x6c: {  	_ =	shalt  }
0x6d: {  	_ =	shalt  }
0x6e: {  	_ =	shalt  }
0x6f: {  	_ =	shalt  }
0x70: {  	_ =	shalt  }
0x71: {  	_ =	shalt  }
0x72: {  	_ =	shalt  }
0x73: {  	_ =	shalt  }
0x74: {  	_ =	shalt  }
0x75: {  	_ =	shalt  }
0x76: {  	_ =	shalt  }
0x77: {  	_ =	shalt  }
0x78: {  	_ =	shalt  }
0x79: {  	_ =	shalt  }
0x7a: {  	_ =	shalt  }
0x7b: {  	_ =	shalt  }
0x7c: {  	_ =	shalt  }
0x7d: {  	_ =	shalt  }
0x7e: {  	_ =	shalt  }
0x7f: {  	_ =	shalt  }
0x80: {  	_ =	shalt  }
0x81: {  	_ =	shalt  }
0x82: {  	_ =	shalt  }
0x83: {  	_ =	shalt  }
0x84: {  	_ =	shalt  }
0x85: {  	_ =	shalt  }
0x86: {  	_ =	shalt  }
0x87: {  	_ =	shalt  }
.Lfunc_end0:
.L_simem_size_0:
called_computation.1_lowered:
.L_overlay_start_0:
0x88: {  	s2 =	sld [smem:$0x3FD9]  }
0x89: {  	s3 =	sld [smem:$0x3FFE];
	_ =	sdelay $0x1  }
0x8a: {  	s1 =	srdreg.scid  }
0x8b: {  	s0 =	sand.u32 $0x1, s1  }
0x8c: {  	s16 =	sshll.u32 s0, $0xA;
	s2 =	sadd.s32 s3, s2  }
0x8d: {  	s2 =	sadd.s32 s2, s16  }
0x8e: {  	[smem:$0x3FC0] =	sst s2  }
0x8f: {  	_ = 	snop  }
0x90: {  	(tm) =	ssettm $0x1  }
0x91: {  	s17 =	sld [smem:$0x3FFB];
	_ =	sdelay $0x3  }
0x92: {  	_ =	strace s17  }
0x93: {  	s2 =	sld [smem:$0x3FFC];
	_ =	sdelay $0x3  }
0x94: {  	_ =	strace s2  }
0x95: {  	s2 =	sld [smem:$0x3FFD];
	_ =	sdelay $0x3  }
0x96: {  	_ =	strace s2  }
0x97: {  	_ =	strace $0x8FFFFFFF  }
0x98: {  	s18 =	sld [smem:$0x3FDB];
	_ =	sdelay $0x1  }
0x99: {  	s19 =	simm.s32 $_scs_section_size  }
0x9a: {  	s4 =	simm.s32 $_size__tile_overlayer_lowered;
	s5 =	simm.s32 $_tile_overlayer_lowered  }
0x9b: {  	s22 =	simm.s32 $0x1BFF;
	s21 =	sshll.u32 s5, $0x1;
	s2 =	sadd.s32 s19, s18  }
0x9c: {  	s6 =	simm.s32 $0x0;
	s20 =	sshll.u32 s4, $0x1;
	s4 =	sadd.s32 s21, s2  }
0x9d: {  	[timem:s6], [sflag:s22] =	dma.local [hbm:s4], s20  }
0x9e: {  	_ =	swait.ge [sflag:s22], s20  }
0x9f: {  	s3 =	ssub.s32 $0x0, s20;
	[sflag:s22] =	ssyncset.done $0x0  }
0xa0: {  	[sflag:s22] =	ssyncadd.s32 s3;
	_ =	sdelay $0x1  }
0xa1: {  	s23 =	simm.s32 $0x1B8B  }
0xa2: {  	_ =	swait.ge [sflag:s23], $0x1  }
0xa3: {  	[sflag:s23] =	ssyncset.done $0x0  }
0xa4: {  	s25 =	simm.s32 $0x1B8E;
	s24 =	sld [smem:$0x3FFE];
	[sflag:s23] =	ssyncadd.s32 $0xFFFFFFFF  }
0xa5: {  	s26 =	simm.s32 $execute0_lowered;
	[smem:$0x3FD2] =	sst s25  }
0xa6: {  	s4 =	sshll.u32 s26, $0x1;
	_ =	strace $0x80000049;
	[dreg:$0x1] =	wrdreg $0xFFFFFFFF  }
0xa7: {  	s28 =	simm.s32 $_size_execute0_lowered;
	s2 =	sadd.s32 s2, s4;
	[dreg:$0x0] =	wrdreg $0x0  }
0xa8: {  	s4 =	sshll.u32 s28, $0x1;
	[dreg:$0x2] =	wrdreg s2  }
0xa9: {  	[dreg:$0x3] =	wrdreg s4  }
0xaa: {  	[dreg:$0x4] =	wrdreg $0xC0  }
0xab: {  	_ =	task [dreg:s6], $0x5FFFF  }
0xac: {  	[dreg:$0x1] =	wrdreg $0xFFFFFFFF  }
0xad: {  	[dreg:$0x0] =	wrdreg $0x60  }
0xae: {  	[dreg:$0x2] =	wrdreg s24  }
0xaf: {  	[dreg:$0x3] =	wrdreg $0x9  }
0xb0: {  	_ =	task.clear_ibuf [dreg:s6], $0x4FFFF;
	_ =	strace $0x90000049  }
0xb1: {  	s29 =	simm.s32 $0x9;
	_ =	strace $0x8000004B  }
0xb2: {  	_ =	swait.ge [sflag:s29], $0x1  }
0xb3: {  	[sflag:s29] =	ssyncadd.s32 $0xFFFFFFFF  }
0xb4: {  	_ =	strace $0x9000004B  }
0xb5: {  	_ =	sfence  }
0xb6: {  	s30 =	sld [smem:$0x0];
	_ =	sdelay $0x2  }
0xb7: {  	s31 =	sshll.u32 s1, $0xD;
	s1 =	sshrl.u32 s1, $0x2  }
0xb8: {  	s3 =	sand.u32 $0x4000, s31;
	s1 =	sadd.s32 s1, s30  }
0xb9: {  	s0 =	sor.u32 s3, s0;
	s1 =	sshll.u32 s1, $0x11  }
0xba: {  	s0 =	sor.u32 s1, s0  }
0xbb: {  	s0 =	sadd.s32 $0x8F2B, s0  }
0xbc: {  	[sflag:s0] =	ssyncadd.remote.s32 $0x1  }
0xbd: {  	_ =	sfence.sel $0xFFFF  }
0xbe: {  	[dreg:$0x0] =	wrdreg $0xFFFFFFFF;
	(pc) =	sbr.abs _section_cstart, $3  }
0xbf: {  	[dreg:$0x1] =	wrdreg $0xFFFFFFFF  }
0xc0: {  	_ =	task.clear_ibuf [dreg:s6], $0x2FFFF;
	_ =	strace $0x9FFFFFFF  }
0xc1: {  	(tm) =	ssettm $0x7FFFFFFF  }
tec
execute0_lowered:
.L_overlay_start_1:
0x0: {  	(tag) =	ssettag $0x1  }
0x1: {  	s0 =	rddreg [dreg:$0x0];
	s2 =	simm.s32 $0x0  }
0x2: {  	s1 =	srdreg.scid;
	s15 =	stileid.u32;
	s28 =	simm.s32 $0x1  }
0x3: {  	s29 =	simm.s32 $0x1A380;
	s30 =	simm.s32 $0x1B380;
	s31 =	simm.s32 $0x1C380  }
0x4: {  	[smem:$0x7FF] =	sst s2;
	s1 =	sand.u32 $0x1, s1;
	s5 =	sshll.u32 s15, $0x1  }
0x5: {  	s3 =	sadd.s32 $0x5C800, s0;
	s4 =	sadd.s32 $0x52A00, s0;
	s8 =	sadd.s32 $0x7A200, s0  }
0x6: {  	s6 =	sadd.s32 $0x13D800, s0;
	s11 =	sadd.s32 $0x3400, s0;
	p0 =	sgt.u32 s15, $0x7  }
0x7: {  	p1 =	slt.u32 s15, $0x8;
	s15 =	simm.s32 $0x0;
	s7 =	sor.u32 s1, s5  }
0x8: {  	_ =	strace $0x8000004A;
	s1 =	ssub.s32 $0x2, s1;
	s9 =	smul.u32 $0x4E2, s7  }
0x9: {  	s5 =	sadd.s32 $0x66600, s0;
	s10 =	smul.u32 $0x9C40, s7;
	s14 =	sshrl.u32 s1, $0x1  }
0xa: {  	s12 =	sand.u32 $0xF, s7;
	s13 =	smul.u32 $0x1388, s7;
	s1 =	ssub.s32 s1, s14  }
0xb: {  	s7 =	smul.u32 $0x4E200, s12;
	s12 =	simm.s32 $0x2;
	s0 =	sadd.s32 s9, s0  }
0xc: {  	s10 =	sshrl.u32 s10, $0x3;
	s17 =	sadd.s32 s8, s13;
	s22 =	sadd.s32 s11, s13  }
0xd: {  	s26 =	smax.u32 s1, $0x1;
	s1 =	simm.s32 $0x9E00;
	[dreg:$0x2] =	wrdreg s17  }
0xe: {  	s9 =	simm.s32 $0xED00;
	s16 =	sadd.s32 $0x4E2, s10;
	[dreg:$0x7] =	wrdreg s22  }
0xf: {  	s19 =	sadd.s32 $0x9C4, s10;
	s0 =	sadd.s32 $0x70400, s0;
	[dreg:$0xc] =	wrdreg s26  }
0x10: {  	s10 =	sadd.s32 $0xEA6, s10;
	s18 =	sadd.s32 s8, s16;
	[dreg:$0xb] =	wrdreg s0  }
0x11: {  	s20 =	sshrl.u32 s7, $0x3;
	s14 =	sadd.s32 s8, s19;
	[dreg:$0x3] =	wrdreg s18  }
0x12: {  	s22 =	simm.s32 $0x7680;
	s8 =	sadd.s32 s8, s10;
	[dreg:$0x4] =	wrdreg s14  }
0x13: {  	s26 =	simm.s32 $0x19380;
	s21 =	sadd.s32 s6, s20;
	[dreg:$0x5] =	wrdreg s8  }
0x14: {  	s23 =	sadd.s32 s11, s16;
	s24 =	sadd.s32 s11, s19;
	[dreg:$0x6] =	wrdreg s21  }
.Ltmp0:
0x15: {  	s25 =	sadd.s32 s11, s10;
	[dreg:$0x8] =	wrdreg s23;
	(pc) =	sbr.rel .LBB2_1-.Ltmp0, $4  }
0x16: {  	s20 =	simm.s32 $0x2780;
	s0 =	simm.s32 $0x1D380;
	[dreg:$0x9] =	wrdreg s24  }
0x17: {  	s10 =	simm.s32 $0x11480;
	s11 =	simm.s32 $0x13C00;
	[dreg:$0xa] =	wrdreg s25  }
0x18: {  	s14 =	simm.s32 $0x3;
	s21 =	simm.s32 $0x4F00;
	s23 =	simm.s32 $0x16380  }
0x19: {  	v0 =	vimm.f32 $0.0e+00;
	s24 =	simm.s32 $0x17380;
	s25 =	simm.s32 $0x18380;
	s8 =	simm.s32 $0xC580  }
.LBB2_31:
0x1a: {  	s13 =	rddreg [dreg:$0x7];
	s14 =	simm.s32 $0x3  }
0x1b: {  	[hbm4b:s13+s2] =	stream.linear.scatter [tilespmem:s1], [sflag:$0x3], $0x2710, $0x38;
	[tilespmem:$0x1E380] =	vst v63  }
0x1c: {  	_ =	swait.ge [sflag:s14], $0x2710  }
0x1d: {  	[sflag:s14] =	ssyncset.done $0x0  }
0x1e: {  	s15 =	rddreg [dreg:$0x8];
	[sflag:s14] =	ssyncadd.s32 $0xFFFFD8F0  }
0x1f: {  	[hbm4b:s15+s2] =	stream.linear.scatter [tilespmem:s8], [sflag:$0x3], $0x2710, $0x38;
	[tilespmem:$0x1E380] =	vst v63  }
0x20: {  	_ =	swait.ge [sflag:s14], $0x2710  }
0x21: {  	[sflag:s14] =	ssyncset.done $0x0  }
0x22: {  	s16 =	rddreg [dreg:$0x9];
	[sflag:s14] =	ssyncadd.s32 $0xFFFFD8F0  }
0x23: {  	[hbm4b:s16+s2] =	stream.linear.scatter [tilespmem:s9], [sflag:$0x3], $0x2710, $0x38;
	[tilespmem:$0x1E380] =	vst v63  }
0x24: {  	_ =	swait.ge [sflag:s14], $0x2710  }
0x25: {  	[sflag:s14] =	ssyncset.done $0x0  }
0x26: {  	s17 =	rddreg [dreg:$0xa];
	[sflag:s14] =	ssyncadd.s32 $0xFFFFD8F0  }
0x27: {  	[hbm4b:s17+s2] =	stream.linear.scatter [tilespmem:s10], [sflag:$0x3], $0x2710, $0x38;
	[tilespmem:$0x1E380] =	vst v63  }
0x28: {  	_ =	swait.ge [sflag:s14], $0x2710  }
0x29: {  	[sflag:s14] =	ssyncset.done $0x0  }
0x2a: {  	s18 =	rddreg [dreg:$0xb];
	[sflag:s14] =	ssyncadd.s32 $0xFFFFD8F0  }
0x2b: {  	[hbm4b:s18+s2] =	stream.linear.scatter [tilespmem:s11], [sflag:$0x3], $0x2710, $0x38;
	[tilespmem:$0x1E380] =	vst v63  }
0x2c: {  	_ =	swait.ge [sflag:s14], $0x2710  }
0x2d: {  	s15 =	rddreg [dreg:$0xd]  }
0x2e: {  	s19 =	rddreg [dreg:$0xc];
	s15 =	sadd.s32 $0x1, s15  }
0x2f: {  	p2 =	sne.s32 s15, s19  }
.Ltmp1:
0x30: {  	_ = 	snop;
	(pc) =	sbr.rel @!p2 .LBB2_32-.Ltmp1, $3  }
0x31: {  	_ =	sdelay $0x1  }
0x32: {  	[sflag:s14] =	ssyncset.done $0x0  }
0x33: {  	[sflag:s14] =	ssyncadd.s32 $0xFFFFD8F0  }
.LBB2_1:
0x34: {  	s13 =	rddreg [dreg:$0x2]  }
0x35: {  	[tilespmem:s2], [sflag:$0x3] =	stream.linear.gather [hbm4b:s13+s2], $0x2710, $0x38;
	[tilespmem:$0x1E380] =	vst v63  }
0x36: {  	_ =	swait.ge [sflag:s14], $0x2710  }
0x37: {  	[sflag:s14] =	ssyncset.done $0x0  }
0x38: {  	s17 =	rddreg [dreg:$0x3];
	[sflag:s14] =	ssyncadd.s32 $0xFFFFD8F0  }
0x39: {  	[tilespmem:s20], [sflag:$0x3] =	stream.linear.gather [hbm4b:s17+s2], $0x2710, $0x38;
	[tilespmem:$0x1E380] =	vst v63  }
0x3a: {  	_ =	swait.ge [sflag:s14], $0x2710  }
0x3b: {  	[sflag:s14] =	ssyncset.done $0x0  }
0x3c: {  	s18 =	rddreg [dreg:$0x4];
	[sflag:s14] =	ssyncadd.s32 $0xFFFFD8F0  }
0x3d: {  	[tilespmem:s21], [sflag:$0x3] =	stream.linear.gather [hbm4b:s18+s2], $0x2710, $0x38;
	[tilespmem:$0x1E380] =	vst v63  }
0x3e: {  	_ =	swait.ge [sflag:s14], $0x2710  }
0x3f: {  	[sflag:s14] =	ssyncset.done $0x0  }
0x40: {  	s19 =	rddreg [dreg:$0x5];
	[sflag:s14] =	ssyncadd.s32 $0xFFFFD8F0  }
0x41: {  	[tilespmem:s22], [sflag:$0x3] =	stream.linear.gather [hbm4b:s19+s2], $0x2710, $0x38;
	[tilespmem:$0x1E380] =	vst v63  }
0x42: {  	_ =	swait.ge [sflag:s14], $0x2710  }
0x43: {  	[sflag:s14] =	ssyncset.done $0x0  }
0x44: {  	s13 =	simm.s32 $0x9E40;
	[sflag:s14] =	ssyncadd.s32 $0xFFFFD8F0  }
0x45: {  	[tilespmem:s13+$0xFFFFFFC0] =	vst v0  }
0x46: {  	[tilespmem:s13+$0x30] =	vst v0  }
0x47: {  	[tilespmem:s13+$0x20] =	vst v0  }
0x48: {  	[tilespmem:s13+$0x10] =	vst v0  }
0x49: {  	[tilespmem:s13+$0x0] =	vst v0  }
0x4a: {  	[tilespmem:s13+$0xFFFFFFF0] =	vst v0  }
0x4b: {  	s14 =	simm.s32 $0x0;
	[tilespmem:s13+$0xFFFFFFE0] =	vst v0  }
.LBB2_2:
0x4c: {  	s14 =	sadd.s32 $0x8, s14;
	[tilespmem:s13+$0xFFFFFFD0] =	vst v0;
	s13 =	sadd.s32 $0x80, s13  }
0x4d: {  	[tilespmem:s13+$0xFFFFFFC0] =	vst v0;
	p2 =	slt.u32 s14, $0x268  }
0x4e: {  	[tilespmem:s13+$0x30] =	vst v0  }
.Ltmp2:
0x4f: {  	[tilespmem:s13+$0x20] =	vst v0;
	(pc) =	sbr.rel @p2 .LBB2_2-.Ltmp2, $4  }
0x50: {  	[tilespmem:s13+$0x10] =	vst v0  }
0x51: {  	[tilespmem:s13+$0x0] =	vst v0  }
0x52: {  	[tilespmem:s13+$0xFFFFFFF0] =	vst v0  }
0x53: {  	[tilespmem:s13+$0xFFFFFFE0] =	vst v0  }
0x54: {  	[tilespmem:s13+$0xFFFFFFD0] =	vst v0  }
0x55: {  	s13 =	simm.s32 $0xC5C0;
	[tilespmem:$0xC500] =	vst v0  }
0x56: {  	[tilespmem:s13+$0xFFFFFFC0] =	vst v0  }
0x57: {  	[tilespmem:s13+$0x30] =	vst v0  }
0x58: {  	[tilespmem:s13+$0x20] =	vst v0  }
0x59: {  	[tilespmem:s13+$0x10] =	vst v0  }
0x5a: {  	[tilespmem:s13+$0x0] =	vst v0  }
0x5b: {  	[tilespmem:s13+$0xFFFFFFF0] =	vst v0  }
0x5c: {  	s14 =	simm.s32 $0x0;
	[tilespmem:s13+$0xFFFFFFE0] =	vst v0  }
.LBB2_4:
0x5d: {  	s14 =	sadd.s32 $0x8, s14;
	[tilespmem:s13+$0xFFFFFFD0] =	vst v0;
	s13 =	sadd.s32 $0x80, s13  }
0x5e: {  	[tilespmem:s13+$0xFFFFFFC0] =	vst v0;
	p2 =	slt.u32 s14, $0x268  }
0x5f: {  	[tilespmem:s13+$0x30] =	vst v0  }
.Ltmp3:
0x60: {  	[tilespmem:s13+$0x20] =	vst v0;
	(pc) =	sbr.rel @p2 .LBB2_4-.Ltmp3, $4  }
0x61: {  	[tilespmem:s13+$0x10] =	vst v0  }
0x62: {  	[tilespmem:s13+$0x0] =	vst v0  }
0x63: {  	[tilespmem:s13+$0xFFFFFFF0] =	vst v0  }
0x64: {  	[tilespmem:s13+$0xFFFFFFE0] =	vst v0  }
0x65: {  	[tilespmem:s13+$0xFFFFFFD0] =	vst v0  }
0x66: {  	s13 =	simm.s32 $0xED40;
	[tilespmem:$0xEC80] =	vst v0  }
0x67: {  	[tilespmem:s13+$0xFFFFFFC0] =	vst v0  }
0x68: {  	[tilespmem:s13+$0x30] =	vst v0  }
0x69: {  	[tilespmem:s13+$0x20] =	vst v0  }
0x6a: {  	[tilespmem:s13+$0x10] =	vst v0  }
0x6b: {  	[tilespmem:s13+$0x0] =	vst v0  }
0x6c: {  	[tilespmem:s13+$0xFFFFFFF0] =	vst v0  }
0x6d: {  	s14 =	simm.s32 $0x0;
	[tilespmem:s13+$0xFFFFFFE0] =	vst v0  }
.LBB2_6:
0x6e: {  	s14 =	sadd.s32 $0x8, s14;
	[tilespmem:s13+$0xFFFFFFD0] =	vst v0;
	s13 =	sadd.s32 $0x80, s13  }
0x6f: {  	[tilespmem:s13+$0xFFFFFFC0] =	vst v0;
	p2 =	slt.u32 s14, $0x268  }
0x70: {  	[tilespmem:s13+$0x30] =	vst v0  }
.Ltmp4:
0x71: {  	[tilespmem:s13+$0x20] =	vst v0;
	(pc) =	sbr.rel @p2 .LBB2_6-.Ltmp4, $4  }
0x72: {  	[tilespmem:s13+$0x10] =	vst v0  }
0x73: {  	[tilespmem:s13+$0x0] =	vst v0  }
0x74: {  	[tilespmem:s13+$0xFFFFFFF0] =	vst v0  }
0x75: {  	[tilespmem:s13+$0xFFFFFFE0] =	vst v0  }
0x76: {  	[tilespmem:s13+$0xFFFFFFD0] =	vst v0  }
0x77: {  	s13 =	simm.s32 $0x114C0;
	[tilespmem:$0x11400] =	vst v0  }
0x78: {  	[tilespmem:s13+$0xFFFFFFC0] =	vst v0  }
0x79: {  	[tilespmem:s13+$0x30] =	vst v0  }
0x7a: {  	[tilespmem:s13+$0x20] =	vst v0  }
0x7b: {  	[tilespmem:s13+$0x10] =	vst v0  }
0x7c: {  	[tilespmem:s13+$0x0] =	vst v0  }
0x7d: {  	[tilespmem:s13+$0xFFFFFFF0] =	vst v0  }
0x7e: {  	s14 =	simm.s32 $0x0;
	[tilespmem:s13+$0xFFFFFFE0] =	vst v0  }
.LBB2_8:
0x7f: {  	s14 =	sadd.s32 $0x8, s14;
	[tilespmem:s13+$0xFFFFFFD0] =	vst v0;
	s13 =	sadd.s32 $0x80, s13  }
0x80: {  	[tilespmem:s13+$0xFFFFFFC0] =	vst v0;
	p2 =	slt.u32 s14, $0x268  }
0x81: {  	[tilespmem:s13+$0x30] =	vst v0  }
.Ltmp5:
0x82: {  	[tilespmem:s13+$0x20] =	vst v0;
	(pc) =	sbr.rel @p2 .LBB2_8-.Ltmp5, $4  }
0x83: {  	[tilespmem:s13+$0x10] =	vst v0  }
0x84: {  	[tilespmem:s13+$0x0] =	vst v0  }
0x85: {  	[tilespmem:s13+$0xFFFFFFF0] =	vst v0  }
0x86: {  	[tilespmem:s13+$0xFFFFFFE0] =	vst v0  }
0x87: {  	[dreg:$0xd] =	wrdreg s15  }
0x88: {  	[tilespmem:s13+$0xFFFFFFD0] =	vst v0  }
0x89: {  	s13 =	simm.s32 $0x13C40;
	[tilespmem:$0x13B80] =	vst v0  }
0x8a: {  	[tilespmem:s13+$0xFFFFFFC0] =	vst v0  }
0x8b: {  	[tilespmem:s13+$0x30] =	vst v0  }
0x8c: {  	[tilespmem:s13+$0x20] =	vst v0  }
0x8d: {  	[tilespmem:s13+$0x10] =	vst v0  }
0x8e: {  	[tilespmem:s13+$0x0] =	vst v0  }
0x8f: {  	[tilespmem:s13+$0xFFFFFFF0] =	vst v0  }
0x90: {  	s14 =	simm.s32 $0x0;
	[tilespmem:s13+$0xFFFFFFE0] =	vst v0  }
.LBB2_10:
0x91: {  	s14 =	sadd.s32 $0x8, s14;
	[tilespmem:s13+$0xFFFFFFD0] =	vst v0;
	s13 =	sadd.s32 $0x80, s13  }
0x92: {  	[tilespmem:s13+$0xFFFFFFC0] =	vst v0;
	p2 =	slt.u32 s14, $0x268  }
0x93: {  	[tilespmem:s13+$0x30] =	vst v0  }
.Ltmp6:
0x94: {  	[tilespmem:s13+$0x20] =	vst v0;
	(pc) =	sbr.rel @p2 .LBB2_10-.Ltmp6, $4  }
0x95: {  	[tilespmem:s13+$0x10] =	vst v0  }
0x96: {  	[tilespmem:s13+$0x0] =	vst v0  }
0x97: {  	[tilespmem:s13+$0xFFFFFFF0] =	vst v0  }
0x98: {  	[tilespmem:s13+$0xFFFFFFE0] =	vst v0  }
0x99: {  	[tilespmem:s13+$0xFFFFFFD0] =	vst v0  }
0x9a: {  	s14 =	simm.s32 $0x0;
	[tilespmem:$0x16300] =	vst v0  }
0x9b: {  	[tilespmem:s23], [sflag:$0x1] =	stream.linear.gather [hbm4b:s3+s14], $0xFA0, $0x38;
	[tilespmem:$0x1E380] =	vst v63  }
0x9c: {  	_ = 	snop  }
0x9d: {  	[tilespmem:s24], [sflag:$0x1] =	stream.linear.gather [hbm4b:s4+s14], $0xFA0, $0x38;
	[tilespmem:$0x1E380] =	vst v63  }
0x9e: {  	_ = 	snop  }
0x9f: {  	[tilespmem:s25], [sflag:$0x1] =	stream.linear.gather [hbm4b:s5+s14], $0xFA0, $0x38;
	[tilespmem:$0x1E380] =	vst v63  }
0xa0: {  	s13 =	rddreg [dreg:$0x6]  }
0xa1: {  	[tilespmem:s26], [sflag:$0x1] =	stream.linear.gather [hbm4b:s13+s14], $0xFA0, $0x38;
	[tilespmem:$0x1E380] =	vst v63  }
0xa2: {  	_ =	swait.ge [sflag:s28], $0xFA0  }
0xa3: {  	[sflag:s28] =	ssyncset.done $0x0  }
0xa4: {  	[sflag:s28] =	ssyncadd.s32 $0xFFFFF060  }
0xa5: {  	_ =	swait.ge [sflag:s28], $0xFA0  }
0xa6: {  	[sflag:s28] =	ssyncset.done $0x0  }
0xa7: {  	[sflag:s28] =	ssyncadd.s32 $0xFFFFF060  }
0xa8: {  	_ =	swait.ge [sflag:s28], $0xFA0  }
.Ltmp7:
0xa9: {  	[sflag:s28] =	ssyncset.done $0x0;
	(pc) =	sbr.rel .LBB2_12-.Ltmp7, $4  }
0xaa: {  	[sflag:s28] =	ssyncadd.s32 $0xFFFFF060  }
0xab: {  	_ =	swait.ge [sflag:s28], $0xFA0  }
0xac: {  	[sflag:s28] =	ssyncset.done $0x0  }
0xad: {  	s15 =	simm.s32 $0x0;
	[sflag:s28] =	ssyncadd.s32 $0xFFFFF060  }
.LBB2_30:
0xae: {  	_ =	swait.ge [sflag:s28], $0xFA0  }
0xaf: {  	[sflag:s28] =	ssyncset.done $0x0  }
0xb0: {  	[sflag:s28] =	ssyncadd.s32 $0xFFFFF060  }
0xb1: {  	_ =	swait.ge [sflag:s28], $0xFA0  }
0xb2: {  	[sflag:s28] =	ssyncset.done $0x0  }
0xb3: {  	s15 =	sadd.s32 $0x1, s15;
	[sflag:s28] =	ssyncadd.s32 $0xFFFFF060  }
0xb4: {  	p2 =	sne.s32 s15, $0x28;
	_ =	swait.ge [sflag:s28], $0xFA0  }
.Ltmp8:
0xb5: {  	[sflag:s28] =	ssyncset.done $0x0;
	(pc) =	sbr.rel @!p2 .LBB2_31-.Ltmp8, $4  }
0xb6: {  	[sflag:s28] =	ssyncadd.s32 $0xFFFFF060  }
0xb7: {  	_ =	swait.ge [sflag:s28], $0xFA0  }
0xb8: {  	[sflag:s28] =	ssyncset.done $0x0  }
0xb9: {  	[sflag:s28] =	ssyncadd.s32 $0xFFFFF060  }
.LBB2_12:
0xba: {  	s13 =	smul.u32 $0x1F40, s15;
	_ =	sdelay $0x1  }
0xbb: {  	s13 =	sadd.s32 $0xFA0, s13  }
0xbc: {  	s16 =	sshrl.u32 s13, $0x3  }
0xbd: {  	s17 =	sadd.s32 s3, s16  }
0xbe: {  	[tilespmem:s29], [sflag:$0x2] =	stream.linear.gather [hbm4b:s17+s2], $0xFA0, $0x38;
	[tilespmem:$0x1E380] =	vst v63  }
0xbf: {  	s13 =	sadd.s32 s7, s13;
	s18 =	sadd.s32 s4, s16  }
0xc0: {  	[tilespmem:s30], [sflag:$0x2] =	stream.linear.gather [hbm4b:s18+s2], $0xFA0, $0x38;
	[tilespmem:$0x1E380] =	vst v63  }
0xc1: {  	s16 =	sadd.s32 s5, s16;
	s13 =	sshrl.u32 s13, $0x3  }
0xc2: {  	[tilespmem:s31], [sflag:$0x2] =	stream.linear.gather [hbm4b:s16+s2], $0xFA0, $0x38;
	[tilespmem:$0x1E380] =	vst v63  }
0xc3: {  	s19 =	simm.s32 $0x163C0;
	s13 =	sadd.s32 s6, s13  }
0xc4: {  	[tilespmem:s0], [sflag:$0x2] =	stream.linear.gather [hbm4b:s13+s2], $0xFA0, $0x38;
	[tilespmem:$0x1E380] =	vst v63  }
0xc5: {  	v2 =	vld [tilespmem:s19+$0x30]  }
0xc6: {  	v5 =	vld [tilespmem:s19+$0xFFFFFFD0]  }
0xc7: {  	v6 =	vld [tilespmem:s19+$0xFFFFFFE0]  }
0xc8: {  	v7 =	vld [tilespmem:s19+$0xFFFFFFF0]  }
0xc9: {  	v8 =	vld [tilespmem:s19+$0x0]  }
0xca: {  	v9 =	vld [tilespmem:s19+$0x10]  }
0xcb: {  	s16 =	simm.s32 $0x173C0;
	v10 =	vld [tilespmem:s19+$0x20]  }
0xcc: {  	s17 =	simm.s32 $0x183C0;
	v11 =	vld [tilespmem:s16+$0x30]  }
0xcd: {  	v12 =	vld [tilespmem:s17+$0x30]  }
0xce: {  	v13 =	vld [tilespmem:s19+$0xFFFFFFC0]  }
0xcf: {  	v20 =	vld [tilespmem:s17+$0xFFFFFFC0]  }
0xd0: {  	v21 =	vld [tilespmem:s17+$0xFFFFFFD0]  }
0xd1: {  	v22 =	vld [tilespmem:s17+$0xFFFFFFE0]  }
0xd2: {  	v23 =	vld [tilespmem:s17+$0xFFFFFFF0]  }
0xd3: {  	v24 =	vld [tilespmem:s17+$0x0]  }
0xd4: {  	v25 =	vld [tilespmem:s17+$0x10]  }
0xd5: {  	v4 =	vld [tilespmem:s17+$0x20]  }
0xd6: {  	v26 =	vld [tilespmem:s16+$0xFFFFFFC0]  }
0xd7: {  	v1 =	vld.idx.msk [tilespmem:v2+s14+$0x0], $0xffff  }
0xd8: {  	v3 =	vld.idx.msk [tilespmem:v5+s14+$0x0], $0xffff  }
0xd9: {  	v27 =	vld [tilespmem:s16+$0xFFFFFFD0]  }
0xda: {  	v29 =	vld [tilespmem:s16+$0xFFFFFFF0]  }
0xdb: {  	v15 =	vld.idx.msk [tilespmem:v7+s14+$0x0], $0xffff  }
0xdc: {  	v18 =	vld.idx.msk [tilespmem:v13+s14+$0x0], $0xffff  }
0xdd: {  	v1 =	vmul.f32 v1, v12;
	v31 =	vmul.f32 v3, v21;
	v3 =	vld [tilespmem:s16+$0x20]  }
0xde: {  	v19 =	vld.idx.msk [tilespmem:v10+s14+$0x0], $0xffff  }
0xdf: {  	[tilespmem:v11+s1+$0x0] =	vst.idx.add.f32.msk $0xffff, v1  }
0xe0: {  	v1 =	vld.idx.msk [tilespmem:v2+s20+$0x0], $0xffff  }
0xe1: {  	v28 =	vld [tilespmem:s16+$0xFFFFFFE0];
	v15 =	vmul.f32 v15, v23  }
0xe2: {  	v14 =	vld.idx.msk [tilespmem:v6+s14+$0x0], $0xffff;
	v18 =	vmul.f32 v18, v20  }
0xe3: {  	[tilespmem:v29+s1+$0x0] =	vst.idx.add.f32.msk $0xffff, v15;
	v15 =	vmul.f32 v19, v4  }
0xe4: {  	[tilespmem:v26+s1+$0x0] =	vst.idx.add.f32.msk $0xffff, v18  }
0xe5: {  	v1 =	vmul.f32 v1, v12;
	[tilespmem:v3+s1+$0x0] =	vst.idx.add.f32.msk $0xffff, v15  }
0xe6: {  	v18 =	vld.idx.msk [tilespmem:v10+s20+$0x0], $0xffff  }
0xe7: {  	[tilespmem:v11+s8+$0x0] =	vst.idx.add.f32.msk $0xffff, v1  }
0xe8: {  	v1 =	vld.idx.msk [tilespmem:v2+s21+$0x0], $0xffff  }
0xe9: {  	v16 =	vld.idx.msk [tilespmem:v8+s14+$0x0], $0xffff  }
0xea: {  	v17 =	vld.idx.msk [tilespmem:v9+s14+$0x0], $0xffff;
	v14 =	vmul.f32 v14, v22  }
0xeb: {  	[tilespmem:v27+s1+$0x0] =	vst.idx.add.f32.msk $0xffff, v31  }
0xec: {  	[tilespmem:v28+s1+$0x0] =	vst.idx.add.f32.msk $0xffff, v14;
	v55 =	vmul.f32 v18, v4  }
0xed: {  	v30 =	vmul.f32 v1, v12;
	v1 =	vld [tilespmem:s16+$0x0]  }
0xee: {  	[tilespmem:v3+s8+$0x0] =	vst.idx.add.f32.msk $0xffff, v55  }
0xef: {  	v18 =	vld.idx.msk [tilespmem:v10+s21+$0x0], $0xffff  }
0xf0: {  	[tilespmem:v11+s9+$0x0] =	vst.idx.add.f32.msk $0xffff, v30  }
0xf1: {  	v30 =	vld.idx.msk [tilespmem:v2+s22+$0x0], $0xffff  }
0xf2: {  	v2 =	vld [tilespmem:s16+$0x10]  }
0xf3: {  	v16 =	vmul.f32 v16, v24;
	v51 =	vld.idx.msk [tilespmem:v13+s20+$0x0], $0xffff  }
0xf4: {  	v15 =	vld.idx.msk [tilespmem:v7+s20+$0x0], $0xffff;
	v61 =	vmul.f32 v18, v4  }
0xf5: {  	[tilespmem:v1+s1+$0x0] =	vst.idx.add.f32.msk $0xffff, v16  }
0xf6: {  	v12 =	vmul.f32 v30, v12;
	[tilespmem:v3+s9+$0x0] =	vst.idx.add.f32.msk $0xffff, v61  }
0xf7: {  	v16 =	vld.idx.msk [tilespmem:v8+s20+$0x0], $0xffff  }
0xf8: {  	v14 =	vmul.f32 v17, v25;
	[tilespmem:v11+s10+$0x0] =	vst.idx.add.f32.msk $0xffff, v12  }
0xf9: {  	v12 =	vld.idx.msk [tilespmem:v5+s20+$0x0], $0xffff  }
0xfa: {  	[tilespmem:v2+s1+$0x0] =	vst.idx.add.f32.msk $0xffff, v14  }
0xfb: {  	v11 =	vmul.f32 v51, v20;
	v14 =	vld.idx.msk [tilespmem:v6+s20+$0x0], $0xffff  }
0xfc: {  	v52 =	vld.idx.msk [tilespmem:v9+s20+$0x0], $0xffff  }
0xfd: {  	[tilespmem:v26+s8+$0x0] =	vst.idx.add.f32.msk $0xffff, v11;
	v54 =	vmul.f32 v16, v24  }
0xfe: {  	v56 =	vld.idx.msk [tilespmem:v13+s21+$0x0], $0xffff;
	v12 =	vmul.f32 v12, v21  }
0xff: {  	[tilespmem:v1+s8+$0x0] =	vst.idx.add.f32.msk $0xffff, v54  }
0x100: {  	v53 =	vmul.f32 v14, v22;
	[tilespmem:v27+s8+$0x0] =	vst.idx.add.f32.msk $0xffff, v12  }
0x101: {  	v12 =	vmul.f32 v15, v23;
	v57 =	vld.idx.msk [tilespmem:v8+s21+$0x0], $0xffff  }
0x102: {  	[tilespmem:v28+s8+$0x0] =	vst.idx.add.f32.msk $0xffff, v53  }
0x103: {  	[tilespmem:v29+s8+$0x0] =	vst.idx.add.f32.msk $0xffff, v12;
	v12 =	vmul.f32 v52, v25  }
0x104: {  	v14 =	vld.idx.msk [tilespmem:v6+s21+$0x0], $0xffff  }
0x105: {  	[tilespmem:v2+s8+$0x0] =	vst.idx.add.f32.msk $0xffff, v12  }
0x106: {  	v11 =	vmul.f32 v56, v20;
	v12 =	vld.idx.msk [tilespmem:v5+s21+$0x0], $0xffff  }
0x107: {  	v15 =	vld.idx.msk [tilespmem:v7+s21+$0x0], $0xffff  }
0x108: {  	[tilespmem:v26+s9+$0x0] =	vst.idx.add.f32.msk $0xffff, v11  }
0x109: {  	v62 =	vld.idx.msk [tilespmem:v13+s22+$0x0], $0xffff;
	v60 =	vmul.f32 v57, v24  }
0x10a: {  	v58 =	vld.idx.msk [tilespmem:v9+s21+$0x0], $0xffff;
	v59 =	vmul.f32 v14, v22  }
0x10b: {  	[tilespmem:v1+s9+$0x0] =	vst.idx.add.f32.msk $0xffff, v60;
	v12 =	vmul.f32 v12, v21  }
0x10c: {  	[tilespmem:v28+s9+$0x0] =	vst.idx.add.f32.msk $0xffff, v59  }
0x10d: {  	[tilespmem:v27+s9+$0x0] =	vst.idx.add.f32.msk $0xffff, v12;
	v12 =	vmul.f32 v15, v23  }
0x10e: {  	v5 =	vld.idx.msk [tilespmem:v5+s22+$0x0], $0xffff  }
0x10f: {  	[tilespmem:v29+s9+$0x0] =	vst.idx.add.f32.msk $0xffff, v12;
	v12 =	vmul.f32 v58, v25  }
0x110: {  	v7 =	vld.idx.msk [tilespmem:v7+s22+$0x0], $0xffff  }
0x111: {  	[tilespmem:v2+s9+$0x0] =	vst.idx.add.f32.msk $0xffff, v12  }
0x112: {  	v12 =	vld.idx.msk [tilespmem:v6+s22+$0x0], $0xffff  }
0x113: {  	v8 =	vld.idx.msk [tilespmem:v8+s22+$0x0], $0xffff  }
0x114: {  	v9 =	vld.idx.msk [tilespmem:v9+s22+$0x0], $0xffff;
	v5 =	vmul.f32 v5, v21  }
0x115: {  	v11 =	vmul.f32 v62, v20;
	v6 =	vld.idx.msk [tilespmem:v10+s22+$0x0], $0xffff  }
0x116: {  	[tilespmem:v27+s10+$0x0] =	vst.idx.add.f32.msk $0xffff, v5;
	v5 =	vmul.f32 v7, v23  }
0x117: {  	[tilespmem:v26+s10+$0x0] =	vst.idx.add.f32.msk $0xffff, v11;
	v63 =	vmul.f32 v12, v22  }
0x118: {  	[tilespmem:v29+s10+$0x0] =	vst.idx.add.f32.msk $0xffff, v5  }
0x119: {  	s13 =	simm.s32 $0x0;
	s19 =	simm.s32 $0x16440;
	v20 =	vmul.f32 v8, v24;
	v12 =	vmul.f32 v9, v25;
	[tilespmem:v28+s10+$0x0] =	vst.idx.add.f32.msk $0xffff, v63  }
.LBB2_13:
0x11a: {  	v25 =	vld [tilespmem:s19+$0x30];
	s13 =	sadd.s32 $0x8, s13;
	v5 =	vmul.f32 v6, v4  }
0x11b: {  	v6 =	vld [tilespmem:s19+$0xFFFFFFD0];
	p2 =	slt.u32 s13, $0xF0  }
0x11c: {  	v8 =	vld [tilespmem:s19+$0xFFFFFFE0]  }
0x11d: {  	v9 =	vld [tilespmem:s19+$0xFFFFFFF0]  }
0x11e: {  	v10 =	vld [tilespmem:s19+$0x0]  }
0x11f: {  	v11 =	vld [tilespmem:s19+$0x10]  }
0x120: {  	s16 =	sadd.s32 $0x80, s16;
	v7 =	vld [tilespmem:s19+$0x20]  }
0x121: {  	s18 =	simm.s32 $0x0;
	v26 =	vld [tilespmem:s16+$0x30]  }
0x122: {  	s17 =	sadd.s32 $0x80, s17;
	v4 =	vld.idx.msk [tilespmem:v25+s18+$0x0], $0xffff  }
0x123: {  	v27 =	vld [tilespmem:s17+$0x30]  }
0x124: {  	v13 =	vld [tilespmem:s19+$0xFFFFFFC0]  }
0x125: {  	v19 =	vld.idx.msk [tilespmem:v6+s18+$0x0], $0xffff  }
0x126: {  	v21 =	vld.idx.msk [tilespmem:v8+s18+$0x0], $0xffff  }
0x127: {  	v22 =	vld.idx.msk [tilespmem:v9+s18+$0x0], $0xffff  }
0x128: {  	v24 =	vld.idx.msk [tilespmem:v10+s18+$0x0], $0xffff;
	v4 =	vmul.f32 v4, v27  }
0x129: {  	v28 =	vld.idx.msk [tilespmem:v11+s18+$0x0], $0xffff  }
0x12a: {  	[tilespmem:v26+s1+$0x0] =	vst.idx.add.f32.msk $0xffff, v4  }
0x12b: {  	v4 =	vld.idx.msk [tilespmem:v25+s20+$0x0], $0xffff  }
0x12c: {  	v23 =	vld.idx.msk [tilespmem:v13+s18+$0x0], $0xffff  }
0x12d: {  	v29 =	vld.idx.msk [tilespmem:v7+s18+$0x0], $0xffff  }
0x12e: {  	v18 =	vld [tilespmem:s17+$0xFFFFFFC0]  }
0x12f: {  	v17 =	vld [tilespmem:s17+$0xFFFFFFD0]  }
0x130: {  	v16 =	vld [tilespmem:s17+$0xFFFFFFE0]  }
0x131: {  	v4 =	vmul.f32 v4, v27;
	v14 =	vld [tilespmem:s17+$0xFFFFFFF0]  }
0x132: {  	v15 =	vld [tilespmem:s17+$0x0]  }
0x133: {  	v30 =	vmul.f32 v23, v18;
	[tilespmem:v26+s8+$0x0] =	vst.idx.add.f32.msk $0xffff, v4  }
0x134: {  	v31 =	vmul.f32 v19, v17;
	v32 =	vld.idx.msk [tilespmem:v25+s21+$0x0], $0xffff  }
0x135: {  	v33 =	vmul.f32 v21, v16;
	v19 =	vld [tilespmem:s17+$0x10]  }
0x136: {  	v34 =	vmul.f32 v22, v14;
	v4 =	vld [tilespmem:s17+$0x20]  }
0x137: {  	v23 =	vld [tilespmem:s16+$0xFFFFFFC0];
	v35 =	vmul.f32 v24, v15  }
0x138: {  	v24 =	vld [tilespmem:s16+$0xFFFFFFD0]  }
0x139: {  	v22 =	vld [tilespmem:s16+$0xFFFFFFE0]  }
0x13a: {  	v32 =	vmul.f32 v32, v27;
	v21 =	vld [tilespmem:s16+$0xFFFFFFF0];
	v28 =	vmul.f32 v28, v19  }
0x13b: {  	v36 =	vld [tilespmem:s16+$0x0];
	v29 =	vmul.f32 v29, v4  }
0x13c: {  	[tilespmem:v26+s9+$0x0] =	vst.idx.add.f32.msk $0xffff, v32  }
0x13d: {  	v25 =	vld.idx.msk [tilespmem:v25+s22+$0x0], $0xffff  }
0x13e: {  	v32 =	vld [tilespmem:s16+$0x10]  }
0x13f: {  	v37 =	vld [tilespmem:s16+$0x20]  }
0x140: {  	[tilespmem:v23+s1+$0x0] =	vst.idx.add.f32.msk $0xffff, v30  }
0x141: {  	[tilespmem:v24+s1+$0x0] =	vst.idx.add.f32.msk $0xffff, v31  }
0x142: {  	[tilespmem:v22+s1+$0x0] =	vst.idx.add.f32.msk $0xffff, v33  }
0x143: {  	v25 =	vmul.f32 v25, v27;
	[tilespmem:v21+s1+$0x0] =	vst.idx.add.f32.msk $0xffff, v34  }
0x144: {  	[tilespmem:v36+s1+$0x0] =	vst.idx.add.f32.msk $0xffff, v35  }
0x145: {  	[tilespmem:v26+s10+$0x0] =	vst.idx.add.f32.msk $0xffff, v25  }
0x146: {  	[tilespmem:v32+s1+$0x0] =	vst.idx.add.f32.msk $0xffff, v28  }
0x147: {  	[tilespmem:v37+s1+$0x0] =	vst.idx.add.f32.msk $0xffff, v29  }
0x148: {  	v25 =	vld.idx.msk [tilespmem:v13+s20+$0x0], $0xffff  }
0x149: {  	v26 =	vld.idx.msk [tilespmem:v6+s20+$0x0], $0xffff  }
0x14a: {  	v27 =	vld.idx.msk [tilespmem:v8+s20+$0x0], $0xffff  }
0x14b: {  	v28 =	vld.idx.msk [tilespmem:v9+s20+$0x0], $0xffff  }
0x14c: {  	v29 =	vld.idx.msk [tilespmem:v10+s20+$0x0], $0xffff  }
0x14d: {  	v30 =	vld.idx.msk [tilespmem:v11+s20+$0x0], $0xffff  }
0x14e: {  	v25 =	vmul.f32 v25, v18;
	v31 =	vld.idx.msk [tilespmem:v7+s20+$0x0], $0xffff  }
0x14f: {  	v26 =	vmul.f32 v26, v17;
	[tilespmem:v1+s10+$0x0] =	vst.idx.add.f32.msk $0xffff, v20;
	v1 =	vmov v36  }
0x150: {  	v20 =	vmul.f32 v27, v16;
	[tilespmem:v23+s8+$0x0] =	vst.idx.add.f32.msk $0xffff, v25  }
0x151: {  	v25 =	vmul.f32 v28, v14;
	[tilespmem:v24+s8+$0x0] =	vst.idx.add.f32.msk $0xffff, v26  }
0x152: {  	[tilespmem:v22+s8+$0x0] =	vst.idx.add.f32.msk $0xffff, v20;
	v20 =	vmul.f32 v29, v15  }
0x153: {  	[tilespmem:v21+s8+$0x0] =	vst.idx.add.f32.msk $0xffff, v25;
	v25 =	vmul.f32 v30, v19  }
0x154: {  	[tilespmem:v36+s8+$0x0] =	vst.idx.add.f32.msk $0xffff, v20;
	v20 =	vmul.f32 v31, v4  }
0x155: {  	[tilespmem:v32+s8+$0x0] =	vst.idx.add.f32.msk $0xffff, v25  }
0x156: {  	[tilespmem:v37+s8+$0x0] =	vst.idx.add.f32.msk $0xffff, v20  }
0x157: {  	v20 =	vld.idx.msk [tilespmem:v13+s21+$0x0], $0xffff  }
0x158: {  	v25 =	vld.idx.msk [tilespmem:v6+s21+$0x0], $0xffff  }
0x159: {  	v26 =	vld.idx.msk [tilespmem:v8+s21+$0x0], $0xffff  }
0x15a: {  	v27 =	vld.idx.msk [tilespmem:v9+s21+$0x0], $0xffff  }
0x15b: {  	v28 =	vld.idx.msk [tilespmem:v10+s21+$0x0], $0xffff  }
0x15c: {  	v29 =	vld.idx.msk [tilespmem:v11+s21+$0x0], $0xffff  }
0x15d: {  	v20 =	vmul.f32 v20, v18;
	v30 =	vld.idx.msk [tilespmem:v7+s21+$0x0], $0xffff  }
0x15e: {  	v25 =	vmul.f32 v25, v17;
	[tilespmem:v2+s10+$0x0] =	vst.idx.add.f32.msk $0xffff, v12;
	v2 =	vmov v32  }
0x15f: {  	v12 =	vmul.f32 v26, v16;
	[tilespmem:v23+s9+$0x0] =	vst.idx.add.f32.msk $0xffff, v20  }
0x160: {  	v20 =	vmul.f32 v27, v14;
	[tilespmem:v24+s9+$0x0] =	vst.idx.add.f32.msk $0xffff, v25  }
0x161: {  	[tilespmem:v22+s9+$0x0] =	vst.idx.add.f32.msk $0xffff, v12;
	v12 =	vmul.f32 v28, v15  }
0x162: {  	[tilespmem:v21+s9+$0x0] =	vst.idx.add.f32.msk $0xffff, v20;
	v20 =	vmul.f32 v29, v19  }
0x163: {  	[tilespmem:v1+s9+$0x0] =	vst.idx.add.f32.msk $0xffff, v12;
	v12 =	vmul.f32 v30, v4  }
0x164: {  	[tilespmem:v32+s9+$0x0] =	vst.idx.add.f32.msk $0xffff, v20  }
0x165: {  	[tilespmem:v37+s9+$0x0] =	vst.idx.add.f32.msk $0xffff, v12  }
0x166: {  	v12 =	vld.idx.msk [tilespmem:v13+s22+$0x0], $0xffff  }
0x167: {  	v13 =	vld.idx.msk [tilespmem:v6+s22+$0x0], $0xffff  }
0x168: {  	v8 =	vld.idx.msk [tilespmem:v8+s22+$0x0], $0xffff  }
0x169: {  	v9 =	vld.idx.msk [tilespmem:v9+s22+$0x0], $0xffff  }
0x16a: {  	v10 =	vld.idx.msk [tilespmem:v10+s22+$0x0], $0xffff  }
0x16b: {  	v11 =	vld.idx.msk [tilespmem:v11+s22+$0x0], $0xffff  }
0x16c: {  	v12 =	vmul.f32 v12, v18;
	v6 =	vld.idx.msk [tilespmem:v7+s22+$0x0], $0xffff  }
.Ltmp9:
0x16d: {  	v7 =	vmul.f32 v13, v17;
	[tilespmem:v3+s10+$0x0] =	vst.idx.add.f32.msk $0xffff, v5;
	v3 =	vmov v37;
	(pc) =	sbr.rel @p2 .LBB2_13-.Ltmp9, $4  }
0x16e: {  	v5 =	vmul.f32 v8, v16;
	[tilespmem:v23+s10+$0x0] =	vst.idx.add.f32.msk $0xffff, v12  }
0x16f: {  	[tilespmem:v24+s10+$0x0] =	vst.idx.add.f32.msk $0xffff, v7;
	v7 =	vmul.f32 v9, v14  }
0x170: {  	v20 =	vmul.f32 v10, v15;
	[tilespmem:v22+s10+$0x0] =	vst.idx.add.f32.msk $0xffff, v5  }
0x171: {  	s19 =	sadd.s32 $0x80, s19;
	v12 =	vmul.f32 v11, v19;
	[tilespmem:v21+s10+$0x0] =	vst.idx.add.f32.msk $0xffff, v7  }
0x172: {  	_ =	sdelay $0x3  }
0x173: {  	v4 =	vmul.f32 v6, v4;
	[tilespmem:v1+s10+$0x0] =	vst.idx.add.f32.msk $0xffff, v20  }
0x174: {  	[tilespmem:v2+s10+$0x0] =	vst.idx.add.f32.msk $0xffff, v12  }
0x175: {  	[tilespmem:v3+s10+$0x0] =	vst.idx.add.f32.msk $0xffff, v4  }
.LBB2_15:
0x176: {  	s13 =	sshra.s32 s18, $0x2  }
0x177: {  	v1 =	vld [tilespmem:s13+$0x17300];
	_ =	sdelay $0x5  }
0x178: {  	v2 =	vld [tilespmem:s13+$0x18300]  }
0x179: {  	v3 =	vld [tilespmem:s13+$0x19300]  }
0x17a: {  	v4 =	vld.idx.msk [tilespmem:v1+s2+$0x0], $0xffff;
	_ =	sdelay $0x4  }
0x17b: {  	v4 =	vmul.f32 v4, v3;
	_ =	sdelay $0x1  }
0x17c: {  	[tilespmem:v2+s1+$0x0] =	vst.idx.add.f32.msk $0xffff, v4  }
0x17d: {  	v4 =	vld.idx.msk [tilespmem:v1+s20+$0x0], $0xffff;
	_ =	sdelay $0x4  }
0x17e: {  	v4 =	vmul.f32 v4, v3;
	_ =	sdelay $0x1  }
0x17f: {  	[tilespmem:v2+s8+$0x0] =	vst.idx.add.f32.msk $0xffff, v4  }
0x180: {  	v4 =	vld.idx.msk [tilespmem:v1+s21+$0x0], $0xffff;
	_ =	sdelay $0x4  }
0x181: {  	v4 =	vmul.f32 v4, v3;
	_ =	sdelay $0x1  }
0x182: {  	[tilespmem:v2+s9+$0x0] =	vst.idx.add.f32.msk $0xffff, v4  }
0x183: {  	v1 =	vld.idx.msk [tilespmem:v1+s22+$0x0], $0xffff;
	_ =	sdelay $0x1  }
0x184: {  	p2 =	sne.s32 s18, $0x40  }
.Ltmp10:
0x185: {  	_ = 	snop;
	(pc) =	sbr.rel @p2 .LBB2_15-.Ltmp10, $3  }
0x186: {  	_ = 	snop  }
0x187: {  	v1 =	vmul.f32 v1, v3;
	_ =	sdelay $0x1  }
0x188: {  	s18 =	sadd.s32 $0x40, s18;
	[tilespmem:v2+s10+$0x0] =	vst.idx.add.f32.msk $0xffff, v1  }
.Ltmp11:
0x189: {  	(pc) =	sbr.rel @p0 .LBB2_21-.Ltmp11, $1  }
0x18a: {  	_ =	sdelay $0x3  }
0x18b: {  	s17 =	simm.s32 $0x183C0  }
0x18c: {  	s13 =	simm.s32 $0x173C0;
	v1 =	vld [tilespmem:s17+$0x30]  }
0x18d: {  	s16 =	simm.s32 $0x193C0;
	v2 =	vld [tilespmem:s13+$0x30]  }
0x18e: {  	v3 =	vld [tilespmem:s16+$0x30]  }
0x18f: {  	v4 =	vld [tilespmem:s17+$0xFFFFFFD0]  }
0x190: {  	v5 =	vld [tilespmem:s16+$0xFFFFFFD0]  }
0x191: {  	v6 =	vld [tilespmem:s17+$0xFFFFFFE0]  }
0x192: {  	v7 =	vld [tilespmem:s17+$0x0]  }
0x193: {  	v8 =	vld [tilespmem:s13+$0xFFFFFFD0]  }
0x194: {  	v9 =	vld [tilespmem:s16+$0x0]  }
0x195: {  	v10 =	vld [tilespmem:s17+$0x10]  }
0x196: {  	v11 =	vld [tilespmem:s16+$0x10]  }
0x197: {  	v12 =	vld [tilespmem:s13+$0xFFFFFFE0]  }
0x198: {  	v13 =	vld [tilespmem:s17+$0x20]  }
0x199: {  	v58 =	vld [tilespmem:s16+$0x20]  }
0x19a: {  	v14 =	vld [tilespmem:s13+$0xFFFFFFF0]  }
0x19b: {  	v59 =	vld [tilespmem:s13+$0x0]  }
0x19c: {  	v60 =	vld [tilespmem:s13+$0x10]  }
0x19d: {  	v1 =	vmul.f32 v3, v1;
	v3 =	vld [tilespmem:s16+$0xFFFFFFE0]  }
0x19e: {  	v61 =	vld [tilespmem:s13+$0x20]  }
0x19f: {  	v62 =	vld [tilespmem:s16+$0xFFFFFFC0]  }
0x1a0: {  	[tilespmem:v2+s11+$0x0] =	vst.idx.add.f32.msk $0xffff, v1  }
0x1a1: {  	v4 =	vmul.f32 v5, v4;
	v1 =	vld [tilespmem:s17+$0xFFFFFFF0]  }
0x1a2: {  	v2 =	vld [tilespmem:s16+$0xFFFFFFF0];
	v3 =	vmul.f32 v3, v6  }
0x1a3: {  	[tilespmem:v8+s11+$0x0] =	vst.idx.add.f32.msk $0xffff, v4  }
0x1a4: {  	v7 =	vmul.f32 v9, v7;
	[tilespmem:v12+s11+$0x0] =	vst.idx.add.f32.msk $0xffff, v3  }
0x1a5: {  	v63 =	vmul.f32 v11, v10;
	v3 =	vld [tilespmem:s17+$0xFFFFFFC0]  }
0x1a6: {  	v5 =	vmul.f32 v58, v13;
	[tilespmem:v59+s11+$0x0] =	vst.idx.add.f32.msk $0xffff, v7  }
0x1a7: {  	[tilespmem:v60+s11+$0x0] =	vst.idx.add.f32.msk $0xffff, v63  }
0x1a8: {  	[tilespmem:v61+s11+$0x0] =	vst.idx.add.f32.msk $0xffff, v5;
	v1 =	vmul.f32 v2, v1  }
0x1a9: {  	v2 =	vld [tilespmem:s13+$0xFFFFFFC0]  }
0x1aa: {  	s18 =	simm.s32 $0x18440;
	s17 =	simm.s32 $0x0;
	[tilespmem:v14+s11+$0x0] =	vst.idx.add.f32.msk $0xffff, v1;
	v1 =	vmul.f32 v62, v3  }
.LBB2_18:
0x1ab: {  	v3 =	vld [tilespmem:s18+$0x30];
	s13 =	sadd.s32 $0x80, s13  }
0x1ac: {  	s17 =	sadd.s32 $0x8, s17;
	s16 =	sadd.s32 $0x80, s16;
	v4 =	vld [tilespmem:s13+$0x30]  }
0x1ad: {  	p2 =	slt.u32 s17, $0xF0;
	v5 =	vld [tilespmem:s16+$0x30]  }
0x1ae: {  	v6 =	vld [tilespmem:s18+$0xFFFFFFC0]  }
0x1af: {  	v7 =	vld [tilespmem:s16+$0xFFFFFFC0]  }
0x1b0: {  	v8 =	vld [tilespmem:s18+$0xFFFFFFD0]  }
0x1b1: {  	v9 =	vld [tilespmem:s16+$0xFFFFFFD0]  }
0x1b2: {  	v10 =	vld [tilespmem:s18+$0xFFFFFFE0];
	v3 =	vmul.f32 v5, v3  }
0x1b3: {  	v5 =	vld [tilespmem:s16+$0xFFFFFFE0]  }
0x1b4: {  	s19 =	simm.s32 $0x0;
	v6 =	vmul.f32 v7, v6;
	[tilespmem:v4+s11+$0x0] =	vst.idx.add.f32.msk $0xffff, v3  }
0x1b5: {  	v3 =	vld [tilespmem:s18+$0xFFFFFFF0]  }
0x1b6: {  	v4 =	vmul.f32 v9, v8;
	v7 =	vld [tilespmem:s16+$0xFFFFFFF0]  }
0x1b7: {  	v8 =	vld [tilespmem:s18+$0x0]  }
0x1b8: {  	v5 =	vmul.f32 v5, v10;
	v9 =	vld [tilespmem:s16+$0x0]  }
0x1b9: {  	v10 =	vld [tilespmem:s18+$0x10]  }
0x1ba: {  	v11 =	vld [tilespmem:s16+$0x10]  }
0x1bb: {  	v3 =	vmul.f32 v7, v3;
	v7 =	vld [tilespmem:s18+$0x20]  }
0x1bc: {  	v12 =	vld [tilespmem:s16+$0x20]  }
0x1bd: {  	v13 =	vld [tilespmem:s13+$0xFFFFFFD0];
	v8 =	vmul.f32 v9, v8  }
0x1be: {  	v9 =	vld [tilespmem:s13+$0xFFFFFFE0]  }
0x1bf: {  	v14 =	vld [tilespmem:s13+$0xFFFFFFF0];
	v10 =	vmul.f32 v11, v10  }
0x1c0: {  	v11 =	vld [tilespmem:s13+$0x0]  }
0x1c1: {  	v15 =	vld [tilespmem:s13+$0x10];
	v7 =	vmul.f32 v12, v7  }
0x1c2: {  	v12 =	vld [tilespmem:s13+$0x20]  }
0x1c3: {  	v16 =	vld [tilespmem:s13+$0xFFFFFFC0]  }
0x1c4: {  	[tilespmem:v2+s11+$0x0] =	vst.idx.add.f32.msk $0xffff, v1;
	v1 =	vmov v6  }
0x1c5: {  	[tilespmem:v13+s11+$0x0] =	vst.idx.add.f32.msk $0xffff, v4  }
.Ltmp12:
0x1c6: {  	[tilespmem:v9+s11+$0x0] =	vst.idx.add.f32.msk $0xffff, v5;
	(pc) =	sbr.rel @p2 .LBB2_18-.Ltmp12, $4  }
0x1c7: {  	[tilespmem:v14+s11+$0x0] =	vst.idx.add.f32.msk $0xffff, v3  }
0x1c8: {  	[tilespmem:v11+s11+$0x0] =	vst.idx.add.f32.msk $0xffff, v8;
	v2 =	vmov v16  }
0x1c9: {  	[tilespmem:v15+s11+$0x0] =	vst.idx.add.f32.msk $0xffff, v10  }
0x1ca: {  	s18 =	sadd.s32 $0x80, s18;
	[tilespmem:v12+s11+$0x0] =	vst.idx.add.f32.msk $0xffff, v7  }
0x1cb: {  	_ =	sdelay $0x3  }
0x1cc: {  	[tilespmem:v2+s11+$0x0] =	vst.idx.add.f32.msk $0xffff, v1  }
.LBB2_20:
0x1cd: {  	s13 =	sshra.s32 s19, $0x2  }
0x1ce: {  	v1 =	vld [tilespmem:s13+$0x18300]  }
0x1cf: {  	v2 =	vld [tilespmem:s13+$0x19300]  }
0x1d0: {  	v3 =	vld [tilespmem:s13+$0x1A300];
	_ =	sdelay $0x1  }
0x1d1: {  	p2 =	sne.s32 s19, $0x40  }
.Ltmp13:
0x1d2: {  	_ = 	snop;
	(pc) =	sbr.rel @p2 .LBB2_20-.Ltmp13, $3  }
0x1d3: {  	_ = 	snop  }
0x1d4: {  	v2 =	vmul.f32 v3, v2;
	_ =	sdelay $0x1  }
0x1d5: {  	s19 =	sadd.s32 $0x40, s19;
	[tilespmem:v1+s11+$0x0] =	vst.idx.add.f32.msk $0xffff, v2  }
.LBB2_21:
0x1d6: {  	_ =	swait.ge [sflag:s12], $0xFA0  }
0x1d7: {  	[sflag:s12] =	ssyncset.done $0x0  }
0x1d8: {  	[sflag:s12] =	ssyncadd.s32 $0xFFFFF060  }
0x1d9: {  	_ =	swait.ge [sflag:s12], $0xFA0  }
0x1da: {  	[sflag:s12] =	ssyncset.done $0x0  }
0x1db: {  	s13 =	sshll.u32 s15, $0x1;
	[sflag:s12] =	ssyncadd.s32 $0xFFFFF060  }
0x1dc: {  	s13 =	sadd.s32 $0x2, s13;
	_ =	swait.ge [sflag:s12], $0xFA0  }
0x1dd: {  	s16 =	smul.u32 $0xFA0, s13;
	[sflag:s12] =	ssyncset.done $0x0  }
0x1de: {  	p2 =	seq.s32 s13, $0x50;
	[sflag:s12] =	ssyncadd.s32 $0xFFFFF060  }
0x1df: {  	s16 =	simm.s32 @p2 $0x0;
	_ =	swait.ge [sflag:s12], $0xFA0  }
0x1e0: {  	s18 =	sshrl.u32 s16, $0x3;
	[sflag:s12] =	ssyncset.done $0x0  }
0x1e1: {  	s17 =	sadd.s32 s3, s18;
	[sflag:s12] =	ssyncadd.s32 $0xFFFFF060  }
0x1e2: {  	[tilespmem:s23], [sflag:$0x1] =	stream.linear.gather [hbm4b:s17+s2], $0xFA0, $0x38;
	[tilespmem:$0x1E380] =	vst v63  }
0x1e3: {  	s16 =	sadd.s32 s7, s16;
	s19 =	sadd.s32 s4, s18  }
0x1e4: {  	[tilespmem:s24], [sflag:$0x1] =	stream.linear.gather [hbm4b:s19+s2], $0xFA0, $0x38;
	[tilespmem:$0x1E380] =	vst v63  }
0x1e5: {  	s13 =	sadd.s32 s5, s18;
	s18 =	sshrl.u32 s16, $0x3  }
0x1e6: {  	[tilespmem:s25], [sflag:$0x1] =	stream.linear.gather [hbm4b:s13+s2], $0xFA0, $0x38;
	[tilespmem:$0x1E380] =	vst v63  }
0x1e7: {  	s19 =	simm.s32 $0x1A3C0;
	s13 =	sadd.s32 s6, s18  }
0x1e8: {  	[tilespmem:s26], [sflag:$0x1] =	stream.linear.gather [hbm4b:s13+s2], $0xFA0, $0x38;
	[tilespmem:$0x1E380] =	vst v63  }
0x1e9: {  	v2 =	vld [tilespmem:s19+$0x30]  }
0x1ea: {  	v5 =	vld [tilespmem:s19+$0xFFFFFFD0]  }
0x1eb: {  	v6 =	vld [tilespmem:s19+$0xFFFFFFE0]  }
0x1ec: {  	v7 =	vld [tilespmem:s19+$0xFFFFFFF0]  }
0x1ed: {  	v8 =	vld [tilespmem:s19+$0x0]  }
0x1ee: {  	v9 =	vld [tilespmem:s19+$0x10]  }
0x1ef: {  	s17 =	simm.s32 $0x1B3C0;
	v10 =	vld [tilespmem:s19+$0x20]  }
0x1f0: {  	s18 =	simm.s32 $0x1C3C0;
	v11 =	vld [tilespmem:s17+$0x30]  }
0x1f1: {  	v12 =	vld [tilespmem:s18+$0x30]  }
0x1f2: {  	v13 =	vld [tilespmem:s19+$0xFFFFFFC0]  }
0x1f3: {  	v20 =	vld [tilespmem:s18+$0xFFFFFFC0]  }
0x1f4: {  	v21 =	vld [tilespmem:s18+$0xFFFFFFD0]  }
0x1f5: {  	v22 =	vld [tilespmem:s18+$0xFFFFFFE0]  }
0x1f6: {  	v23 =	vld [tilespmem:s18+$0xFFFFFFF0]  }
0x1f7: {  	v24 =	vld [tilespmem:s18+$0x0]  }
0x1f8: {  	v25 =	vld [tilespmem:s18+$0x10]  }
0x1f9: {  	v4 =	vld [tilespmem:s18+$0x20]  }
0x1fa: {  	s16 =	simm.s32 $0x0;
	v26 =	vld [tilespmem:s17+$0xFFFFFFC0]  }
0x1fb: {  	v1 =	vld.idx.msk [tilespmem:v2+s16+$0x0], $0xffff  }
0x1fc: {  	v3 =	vld.idx.msk [tilespmem:v5+s16+$0x0], $0xffff  }
0x1fd: {  	v27 =	vld [tilespmem:s17+$0xFFFFFFD0]  }
0x1fe: {  	v29 =	vld [tilespmem:s17+$0xFFFFFFF0]  }
0x1ff: {  	v15 =	vld.idx.msk [tilespmem:v7+s16+$0x0], $0xffff  }
0x200: {  	v18 =	vld.idx.msk [tilespmem:v13+s16+$0x0], $0xffff  }
0x201: {  	v1 =	vmul.f32 v1, v12;
	v31 =	vmul.f32 v3, v21;
	v3 =	vld [tilespmem:s17+$0x20]  }
0x202: {  	v19 =	vld.idx.msk [tilespmem:v10+s16+$0x0], $0xffff  }
0x203: {  	[tilespmem:v11+s1+$0x0] =	vst.idx.add.f32.msk $0xffff, v1  }
0x204: {  	v1 =	vld.idx.msk [tilespmem:v2+s20+$0x0], $0xffff  }
0x205: {  	v28 =	vld [tilespmem:s17+$0xFFFFFFE0];
	v15 =	vmul.f32 v15, v23  }
0x206: {  	v14 =	vld.idx.msk [tilespmem:v6+s16+$0x0], $0xffff;
	v18 =	vmul.f32 v18, v20  }
0x207: {  	[tilespmem:v29+s1+$0x0] =	vst.idx.add.f32.msk $0xffff, v15;
	v15 =	vmul.f32 v19, v4  }
0x208: {  	[tilespmem:v26+s1+$0x0] =	vst.idx.add.f32.msk $0xffff, v18  }
0x209: {  	v1 =	vmul.f32 v1, v12;
	[tilespmem:v3+s1+$0x0] =	vst.idx.add.f32.msk $0xffff, v15  }
0x20a: {  	v18 =	vld.idx.msk [tilespmem:v10+s20+$0x0], $0xffff  }
0x20b: {  	[tilespmem:v11+s8+$0x0] =	vst.idx.add.f32.msk $0xffff, v1  }
0x20c: {  	v1 =	vld.idx.msk [tilespmem:v2+s21+$0x0], $0xffff  }
0x20d: {  	v16 =	vld.idx.msk [tilespmem:v8+s16+$0x0], $0xffff  }
0x20e: {  	v17 =	vld.idx.msk [tilespmem:v9+s16+$0x0], $0xffff;
	v14 =	vmul.f32 v14, v22  }
0x20f: {  	[tilespmem:v27+s1+$0x0] =	vst.idx.add.f32.msk $0xffff, v31  }
0x210: {  	[tilespmem:v28+s1+$0x0] =	vst.idx.add.f32.msk $0xffff, v14;
	v55 =	vmul.f32 v18, v4  }
0x211: {  	v30 =	vmul.f32 v1, v12;
	v1 =	vld [tilespmem:s17+$0x0]  }
0x212: {  	[tilespmem:v3+s8+$0x0] =	vst.idx.add.f32.msk $0xffff, v55  }
0x213: {  	v18 =	vld.idx.msk [tilespmem:v10+s21+$0x0], $0xffff  }
0x214: {  	[tilespmem:v11+s9+$0x0] =	vst.idx.add.f32.msk $0xffff, v30  }
0x215: {  	v30 =	vld.idx.msk [tilespmem:v2+s22+$0x0], $0xffff  }
0x216: {  	v2 =	vld [tilespmem:s17+$0x10]  }
0x217: {  	v16 =	vmul.f32 v16, v24;
	v51 =	vld.idx.msk [tilespmem:v13+s20+$0x0], $0xffff  }
0x218: {  	v15 =	vld.idx.msk [tilespmem:v7+s20+$0x0], $0xffff;
	v61 =	vmul.f32 v18, v4  }
0x219: {  	[tilespmem:v1+s1+$0x0] =	vst.idx.add.f32.msk $0xffff, v16  }
0x21a: {  	v12 =	vmul.f32 v30, v12;
	[tilespmem:v3+s9+$0x0] =	vst.idx.add.f32.msk $0xffff, v61  }
0x21b: {  	v16 =	vld.idx.msk [tilespmem:v8+s20+$0x0], $0xffff  }
0x21c: {  	v14 =	vmul.f32 v17, v25;
	[tilespmem:v11+s10+$0x0] =	vst.idx.add.f32.msk $0xffff, v12  }
0x21d: {  	v12 =	vld.idx.msk [tilespmem:v5+s20+$0x0], $0xffff  }
0x21e: {  	[tilespmem:v2+s1+$0x0] =	vst.idx.add.f32.msk $0xffff, v14  }
0x21f: {  	v11 =	vmul.f32 v51, v20;
	v14 =	vld.idx.msk [tilespmem:v6+s20+$0x0], $0xffff  }
0x220: {  	v52 =	vld.idx.msk [tilespmem:v9+s20+$0x0], $0xffff  }
0x221: {  	[tilespmem:v26+s8+$0x0] =	vst.idx.add.f32.msk $0xffff, v11;
	v54 =	vmul.f32 v16, v24  }
0x222: {  	v56 =	vld.idx.msk [tilespmem:v13+s21+$0x0], $0xffff;
	v12 =	vmul.f32 v12, v21  }
0x223: {  	[tilespmem:v1+s8+$0x0] =	vst.idx.add.f32.msk $0xffff, v54  }
0x224: {  	v53 =	vmul.f32 v14, v22;
	[tilespmem:v27+s8+$0x0] =	vst.idx.add.f32.msk $0xffff, v12  }
0x225: {  	v12 =	vmul.f32 v15, v23;
	v57 =	vld.idx.msk [tilespmem:v8+s21+$0x0], $0xffff  }
0x226: {  	[tilespmem:v28+s8+$0x0] =	vst.idx.add.f32.msk $0xffff, v53  }
0x227: {  	[tilespmem:v29+s8+$0x0] =	vst.idx.add.f32.msk $0xffff, v12;
	v12 =	vmul.f32 v52, v25  }
0x228: {  	v14 =	vld.idx.msk [tilespmem:v6+s21+$0x0], $0xffff  }
0x229: {  	[tilespmem:v2+s8+$0x0] =	vst.idx.add.f32.msk $0xffff, v12  }
0x22a: {  	v11 =	vmul.f32 v56, v20;
	v12 =	vld.idx.msk [tilespmem:v5+s21+$0x0], $0xffff  }
0x22b: {  	v15 =	vld.idx.msk [tilespmem:v7+s21+$0x0], $0xffff  }
0x22c: {  	[tilespmem:v26+s9+$0x0] =	vst.idx.add.f32.msk $0xffff, v11  }
0x22d: {  	v62 =	vld.idx.msk [tilespmem:v13+s22+$0x0], $0xffff;
	v60 =	vmul.f32 v57, v24  }
0x22e: {  	v58 =	vld.idx.msk [tilespmem:v9+s21+$0x0], $0xffff;
	v59 =	vmul.f32 v14, v22  }
0x22f: {  	[tilespmem:v1+s9+$0x0] =	vst.idx.add.f32.msk $0xffff, v60;
	v12 =	vmul.f32 v12, v21  }
0x230: {  	[tilespmem:v28+s9+$0x0] =	vst.idx.add.f32.msk $0xffff, v59  }
0x231: {  	[tilespmem:v27+s9+$0x0] =	vst.idx.add.f32.msk $0xffff, v12;
	v12 =	vmul.f32 v15, v23  }
0x232: {  	v5 =	vld.idx.msk [tilespmem:v5+s22+$0x0], $0xffff  }
0x233: {  	[tilespmem:v29+s9+$0x0] =	vst.idx.add.f32.msk $0xffff, v12;
	v12 =	vmul.f32 v58, v25  }
0x234: {  	v7 =	vld.idx.msk [tilespmem:v7+s22+$0x0], $0xffff  }
0x235: {  	[tilespmem:v2+s9+$0x0] =	vst.idx.add.f32.msk $0xffff, v12  }
0x236: {  	v12 =	vld.idx.msk [tilespmem:v6+s22+$0x0], $0xffff  }
0x237: {  	v8 =	vld.idx.msk [tilespmem:v8+s22+$0x0], $0xffff  }
0x238: {  	v9 =	vld.idx.msk [tilespmem:v9+s22+$0x0], $0xffff;
	v5 =	vmul.f32 v5, v21  }
0x239: {  	v11 =	vmul.f32 v62, v20;
	v6 =	vld.idx.msk [tilespmem:v10+s22+$0x0], $0xffff  }
0x23a: {  	[tilespmem:v27+s10+$0x0] =	vst.idx.add.f32.msk $0xffff, v5;
	v5 =	vmul.f32 v7, v23  }
0x23b: {  	[tilespmem:v26+s10+$0x0] =	vst.idx.add.f32.msk $0xffff, v11;
	v63 =	vmul.f32 v12, v22  }
0x23c: {  	[tilespmem:v29+s10+$0x0] =	vst.idx.add.f32.msk $0xffff, v5  }
0x23d: {  	s13 =	simm.s32 $0x0;
	s19 =	simm.s32 $0x1A440;
	v20 =	vmul.f32 v8, v24;
	v12 =	vmul.f32 v9, v25;
	[tilespmem:v28+s10+$0x0] =	vst.idx.add.f32.msk $0xffff, v63  }
.LBB2_22:
0x23e: {  	v25 =	vld [tilespmem:s19+$0x30];
	s13 =	sadd.s32 $0x8, s13;
	v5 =	vmul.f32 v6, v4  }
0x23f: {  	v6 =	vld [tilespmem:s19+$0xFFFFFFD0];
	p2 =	slt.u32 s13, $0xF0  }
0x240: {  	v8 =	vld [tilespmem:s19+$0xFFFFFFE0]  }
0x241: {  	v9 =	vld [tilespmem:s19+$0xFFFFFFF0]  }
0x242: {  	v10 =	vld [tilespmem:s19+$0x0]  }
0x243: {  	v11 =	vld [tilespmem:s19+$0x10]  }
0x244: {  	s17 =	sadd.s32 $0x80, s17;
	v7 =	vld [tilespmem:s19+$0x20]  }
0x245: {  	v26 =	vld [tilespmem:s17+$0x30]  }
0x246: {  	s18 =	sadd.s32 $0x80, s18;
	v4 =	vld.idx.msk [tilespmem:v25+s16+$0x0], $0xffff  }
0x247: {  	v27 =	vld [tilespmem:s18+$0x30]  }
0x248: {  	v13 =	vld [tilespmem:s19+$0xFFFFFFC0]  }
0x249: {  	v19 =	vld.idx.msk [tilespmem:v6+s16+$0x0], $0xffff  }
0x24a: {  	v21 =	vld.idx.msk [tilespmem:v8+s16+$0x0], $0xffff  }
0x24b: {  	v22 =	vld.idx.msk [tilespmem:v9+s16+$0x0], $0xffff  }
0x24c: {  	v24 =	vld.idx.msk [tilespmem:v10+s16+$0x0], $0xffff;
	v4 =	vmul.f32 v4, v27  }
0x24d: {  	v28 =	vld.idx.msk [tilespmem:v11+s16+$0x0], $0xffff  }
0x24e: {  	[tilespmem:v26+s1+$0x0] =	vst.idx.add.f32.msk $0xffff, v4  }
0x24f: {  	v4 =	vld.idx.msk [tilespmem:v25+s20+$0x0], $0xffff  }
0x250: {  	v23 =	vld.idx.msk [tilespmem:v13+s16+$0x0], $0xffff  }
0x251: {  	v29 =	vld.idx.msk [tilespmem:v7+s16+$0x0], $0xffff  }
0x252: {  	v18 =	vld [tilespmem:s18+$0xFFFFFFC0]  }
0x253: {  	v17 =	vld [tilespmem:s18+$0xFFFFFFD0]  }
0x254: {  	v16 =	vld [tilespmem:s18+$0xFFFFFFE0]  }
0x255: {  	v4 =	vmul.f32 v4, v27;
	v14 =	vld [tilespmem:s18+$0xFFFFFFF0]  }
0x256: {  	v15 =	vld [tilespmem:s18+$0x0]  }
0x257: {  	v30 =	vmul.f32 v23, v18;
	[tilespmem:v26+s8+$0x0] =	vst.idx.add.f32.msk $0xffff, v4  }
0x258: {  	v31 =	vmul.f32 v19, v17;
	v32 =	vld.idx.msk [tilespmem:v25+s21+$0x0], $0xffff  }
0x259: {  	v33 =	vmul.f32 v21, v16;
	v19 =	vld [tilespmem:s18+$0x10]  }
0x25a: {  	v34 =	vmul.f32 v22, v14;
	v4 =	vld [tilespmem:s18+$0x20]  }
0x25b: {  	v23 =	vld [tilespmem:s17+$0xFFFFFFC0];
	v35 =	vmul.f32 v24, v15  }
0x25c: {  	v24 =	vld [tilespmem:s17+$0xFFFFFFD0]  }
0x25d: {  	v22 =	vld [tilespmem:s17+$0xFFFFFFE0]  }
0x25e: {  	v32 =	vmul.f32 v32, v27;
	v21 =	vld [tilespmem:s17+$0xFFFFFFF0];
	v28 =	vmul.f32 v28, v19  }
0x25f: {  	v36 =	vld [tilespmem:s17+$0x0];
	v29 =	vmul.f32 v29, v4  }
0x260: {  	[tilespmem:v26+s9+$0x0] =	vst.idx.add.f32.msk $0xffff, v32  }
0x261: {  	v25 =	vld.idx.msk [tilespmem:v25+s22+$0x0], $0xffff  }
0x262: {  	v32 =	vld [tilespmem:s17+$0x10]  }
0x263: {  	v37 =	vld [tilespmem:s17+$0x20]  }
0x264: {  	[tilespmem:v23+s1+$0x0] =	vst.idx.add.f32.msk $0xffff, v30  }
0x265: {  	[tilespmem:v24+s1+$0x0] =	vst.idx.add.f32.msk $0xffff, v31  }
0x266: {  	[tilespmem:v22+s1+$0x0] =	vst.idx.add.f32.msk $0xffff, v33  }
0x267: {  	v25 =	vmul.f32 v25, v27;
	[tilespmem:v21+s1+$0x0] =	vst.idx.add.f32.msk $0xffff, v34  }
0x268: {  	[tilespmem:v36+s1+$0x0] =	vst.idx.add.f32.msk $0xffff, v35  }
0x269: {  	[tilespmem:v26+s10+$0x0] =	vst.idx.add.f32.msk $0xffff, v25  }
0x26a: {  	[tilespmem:v32+s1+$0x0] =	vst.idx.add.f32.msk $0xffff, v28  }
0x26b: {  	[tilespmem:v37+s1+$0x0] =	vst.idx.add.f32.msk $0xffff, v29  }
0x26c: {  	v25 =	vld.idx.msk [tilespmem:v13+s20+$0x0], $0xffff  }
0x26d: {  	v26 =	vld.idx.msk [tilespmem:v6+s20+$0x0], $0xffff  }
0x26e: {  	v27 =	vld.idx.msk [tilespmem:v8+s20+$0x0], $0xffff  }
0x26f: {  	v28 =	vld.idx.msk [tilespmem:v9+s20+$0x0], $0xffff  }
0x270: {  	v29 =	vld.idx.msk [tilespmem:v10+s20+$0x0], $0xffff  }
0x271: {  	v30 =	vld.idx.msk [tilespmem:v11+s20+$0x0], $0xffff  }
0x272: {  	v25 =	vmul.f32 v25, v18;
	v31 =	vld.idx.msk [tilespmem:v7+s20+$0x0], $0xffff  }
0x273: {  	v26 =	vmul.f32 v26, v17;
	[tilespmem:v1+s10+$0x0] =	vst.idx.add.f32.msk $0xffff, v20;
	v1 =	vmov v36  }
0x274: {  	v20 =	vmul.f32 v27, v16;
	[tilespmem:v23+s8+$0x0] =	vst.idx.add.f32.msk $0xffff, v25  }
0x275: {  	v25 =	vmul.f32 v28, v14;
	[tilespmem:v24+s8+$0x0] =	vst.idx.add.f32.msk $0xffff, v26  }
0x276: {  	[tilespmem:v22+s8+$0x0] =	vst.idx.add.f32.msk $0xffff, v20;
	v20 =	vmul.f32 v29, v15  }
0x277: {  	[tilespmem:v21+s8+$0x0] =	vst.idx.add.f32.msk $0xffff, v25;
	v25 =	vmul.f32 v30, v19  }
0x278: {  	[tilespmem:v36+s8+$0x0] =	vst.idx.add.f32.msk $0xffff, v20;
	v20 =	vmul.f32 v31, v4  }
0x279: {  	[tilespmem:v32+s8+$0x0] =	vst.idx.add.f32.msk $0xffff, v25  }
0x27a: {  	[tilespmem:v37+s8+$0x0] =	vst.idx.add.f32.msk $0xffff, v20  }
0x27b: {  	v20 =	vld.idx.msk [tilespmem:v13+s21+$0x0], $0xffff  }
0x27c: {  	v25 =	vld.idx.msk [tilespmem:v6+s21+$0x0], $0xffff  }
0x27d: {  	v26 =	vld.idx.msk [tilespmem:v8+s21+$0x0], $0xffff  }
0x27e: {  	v27 =	vld.idx.msk [tilespmem:v9+s21+$0x0], $0xffff  }
0x27f: {  	v28 =	vld.idx.msk [tilespmem:v10+s21+$0x0], $0xffff  }
0x280: {  	v29 =	vld.idx.msk [tilespmem:v11+s21+$0x0], $0xffff  }
0x281: {  	v20 =	vmul.f32 v20, v18;
	v30 =	vld.idx.msk [tilespmem:v7+s21+$0x0], $0xffff  }
0x282: {  	v25 =	vmul.f32 v25, v17;
	[tilespmem:v2+s10+$0x0] =	vst.idx.add.f32.msk $0xffff, v12;
	v2 =	vmov v32  }
0x283: {  	v12 =	vmul.f32 v26, v16;
	[tilespmem:v23+s9+$0x0] =	vst.idx.add.f32.msk $0xffff, v20  }
0x284: {  	v20 =	vmul.f32 v27, v14;
	[tilespmem:v24+s9+$0x0] =	vst.idx.add.f32.msk $0xffff, v25  }
0x285: {  	[tilespmem:v22+s9+$0x0] =	vst.idx.add.f32.msk $0xffff, v12;
	v12 =	vmul.f32 v28, v15  }
0x286: {  	[tilespmem:v21+s9+$0x0] =	vst.idx.add.f32.msk $0xffff, v20;
	v20 =	vmul.f32 v29, v19  }
0x287: {  	[tilespmem:v1+s9+$0x0] =	vst.idx.add.f32.msk $0xffff, v12;
	v12 =	vmul.f32 v30, v4  }
0x288: {  	[tilespmem:v32+s9+$0x0] =	vst.idx.add.f32.msk $0xffff, v20  }
0x289: {  	[tilespmem:v37+s9+$0x0] =	vst.idx.add.f32.msk $0xffff, v12  }
0x28a: {  	v12 =	vld.idx.msk [tilespmem:v13+s22+$0x0], $0xffff  }
0x28b: {  	v13 =	vld.idx.msk [tilespmem:v6+s22+$0x0], $0xffff  }
0x28c: {  	v8 =	vld.idx.msk [tilespmem:v8+s22+$0x0], $0xffff  }
0x28d: {  	v9 =	vld.idx.msk [tilespmem:v9+s22+$0x0], $0xffff  }
0x28e: {  	v10 =	vld.idx.msk [tilespmem:v10+s22+$0x0], $0xffff  }
0x28f: {  	v11 =	vld.idx.msk [tilespmem:v11+s22+$0x0], $0xffff  }
0x290: {  	v12 =	vmul.f32 v12, v18;
	v6 =	vld.idx.msk [tilespmem:v7+s22+$0x0], $0xffff  }
.Ltmp14:
0x291: {  	v7 =	vmul.f32 v13, v17;
	[tilespmem:v3+s10+$0x0] =	vst.idx.add.f32.msk $0xffff, v5;
	v3 =	vmov v37;
	(pc) =	sbr.rel @p2 .LBB2_22-.Ltmp14, $4  }
0x292: {  	v5 =	vmul.f32 v8, v16;
	[tilespmem:v23+s10+$0x0] =	vst.idx.add.f32.msk $0xffff, v12  }
0x293: {  	[tilespmem:v24+s10+$0x0] =	vst.idx.add.f32.msk $0xffff, v7;
	v7 =	vmul.f32 v9, v14  }
0x294: {  	v20 =	vmul.f32 v10, v15;
	[tilespmem:v22+s10+$0x0] =	vst.idx.add.f32.msk $0xffff, v5  }
0x295: {  	s19 =	sadd.s32 $0x80, s19;
	v12 =	vmul.f32 v11, v19;
	[tilespmem:v21+s10+$0x0] =	vst.idx.add.f32.msk $0xffff, v7  }
0x296: {  	_ =	sdelay $0x3  }
0x297: {  	v4 =	vmul.f32 v6, v4;
	[tilespmem:v1+s10+$0x0] =	vst.idx.add.f32.msk $0xffff, v20  }
0x298: {  	[tilespmem:v2+s10+$0x0] =	vst.idx.add.f32.msk $0xffff, v12  }
0x299: {  	[tilespmem:v3+s10+$0x0] =	vst.idx.add.f32.msk $0xffff, v4  }
.LBB2_24:
0x29a: {  	s13 =	sshra.s32 s16, $0x2  }
0x29b: {  	v1 =	vld [tilespmem:s13+$0x1B300];
	_ =	sdelay $0x5  }
0x29c: {  	v2 =	vld [tilespmem:s13+$0x1C300]  }
0x29d: {  	v3 =	vld [tilespmem:s13+$0x1D300]  }
0x29e: {  	v4 =	vld.idx.msk [tilespmem:v1+s2+$0x0], $0xffff;
	_ =	sdelay $0x4  }
0x29f: {  	v4 =	vmul.f32 v4, v3;
	_ =	sdelay $0x1  }
0x2a0: {  	[tilespmem:v2+s1+$0x0] =	vst.idx.add.f32.msk $0xffff, v4  }
0x2a1: {  	v4 =	vld.idx.msk [tilespmem:v1+s20+$0x0], $0xffff;
	_ =	sdelay $0x4  }
0x2a2: {  	v4 =	vmul.f32 v4, v3;
	_ =	sdelay $0x1  }
0x2a3: {  	[tilespmem:v2+s8+$0x0] =	vst.idx.add.f32.msk $0xffff, v4  }
0x2a4: {  	v4 =	vld.idx.msk [tilespmem:v1+s21+$0x0], $0xffff;
	_ =	sdelay $0x4  }
0x2a5: {  	v4 =	vmul.f32 v4, v3;
	_ =	sdelay $0x1  }
0x2a6: {  	[tilespmem:v2+s9+$0x0] =	vst.idx.add.f32.msk $0xffff, v4  }
0x2a7: {  	v1 =	vld.idx.msk [tilespmem:v1+s22+$0x0], $0xffff;
	_ =	sdelay $0x1  }
0x2a8: {  	p2 =	sne.s32 s16, $0x40  }
.Ltmp15:
0x2a9: {  	_ = 	snop;
	(pc) =	sbr.rel @p2 .LBB2_24-.Ltmp15, $3  }
0x2aa: {  	_ = 	snop  }
0x2ab: {  	v1 =	vmul.f32 v1, v3;
	_ =	sdelay $0x1  }
0x2ac: {  	s16 =	sadd.s32 $0x40, s16;
	[tilespmem:v2+s10+$0x0] =	vst.idx.add.f32.msk $0xffff, v1  }
.Ltmp16:
0x2ad: {  	(pc) =	sbr.rel @p1 .LBB2_30-.Ltmp16, $1  }
0x2ae: {  	_ =	sdelay $0x3  }
0x2af: {  	s17 =	simm.s32 $0x1C3C0  }
0x2b0: {  	s13 =	simm.s32 $0x1B3C0;
	v1 =	vld [tilespmem:s17+$0x30]  }
0x2b1: {  	s16 =	simm.s32 $0x1D3C0;
	v2 =	vld [tilespmem:s13+$0x30]  }
0x2b2: {  	v3 =	vld [tilespmem:s16+$0x30]  }
0x2b3: {  	v4 =	vld [tilespmem:s17+$0xFFFFFFD0]  }
0x2b4: {  	v5 =	vld [tilespmem:s16+$0xFFFFFFD0]  }
0x2b5: {  	v6 =	vld [tilespmem:s17+$0xFFFFFFE0]  }
0x2b6: {  	v7 =	vld [tilespmem:s17+$0x0]  }
0x2b7: {  	v8 =	vld [tilespmem:s13+$0xFFFFFFD0]  }
0x2b8: {  	v9 =	vld [tilespmem:s16+$0x0]  }
0x2b9: {  	v10 =	vld [tilespmem:s17+$0x10]  }
0x2ba: {  	v11 =	vld [tilespmem:s16+$0x10]  }
0x2bb: {  	v12 =	vld [tilespmem:s13+$0xFFFFFFE0]  }
0x2bc: {  	v13 =	vld [tilespmem:s17+$0x20]  }
0x2bd: {  	v58 =	vld [tilespmem:s16+$0x20]  }
0x2be: {  	v14 =	vld [tilespmem:s13+$0xFFFFFFF0]  }
0x2bf: {  	v59 =	vld [tilespmem:s13+$0x0]  }
0x2c0: {  	v60 =	vld [tilespmem:s13+$0x10]  }
0x2c1: {  	v1 =	vmul.f32 v3, v1;
	v3 =	vld [tilespmem:s16+$0xFFFFFFE0]  }
0x2c2: {  	v61 =	vld [tilespmem:s13+$0x20]  }
0x2c3: {  	v62 =	vld [tilespmem:s16+$0xFFFFFFC0]  }
0x2c4: {  	[tilespmem:v2+s11+$0x0] =	vst.idx.add.f32.msk $0xffff, v1  }
0x2c5: {  	v4 =	vmul.f32 v5, v4;
	v1 =	vld [tilespmem:s17+$0xFFFFFFF0]  }
0x2c6: {  	v2 =	vld [tilespmem:s16+$0xFFFFFFF0];
	v3 =	vmul.f32 v3, v6  }
0x2c7: {  	[tilespmem:v8+s11+$0x0] =	vst.idx.add.f32.msk $0xffff, v4  }
0x2c8: {  	v7 =	vmul.f32 v9, v7;
	[tilespmem:v12+s11+$0x0] =	vst.idx.add.f32.msk $0xffff, v3  }
0x2c9: {  	v63 =	vmul.f32 v11, v10;
	v3 =	vld [tilespmem:s17+$0xFFFFFFC0]  }
0x2ca: {  	v5 =	vmul.f32 v58, v13;
	[tilespmem:v59+s11+$0x0] =	vst.idx.add.f32.msk $0xffff, v7  }
0x2cb: {  	[tilespmem:v60+s11+$0x0] =	vst.idx.add.f32.msk $0xffff, v63  }
0x2cc: {  	[tilespmem:v61+s11+$0x0] =	vst.idx.add.f32.msk $0xffff, v5;
	v1 =	vmul.f32 v2, v1  }
0x2cd: {  	v2 =	vld [tilespmem:s13+$0xFFFFFFC0]  }
0x2ce: {  	s18 =	simm.s32 $0x1C440;
	s17 =	simm.s32 $0x0;
	[tilespmem:v14+s11+$0x0] =	vst.idx.add.f32.msk $0xffff, v1;
	v1 =	vmul.f32 v62, v3  }
.LBB2_27:
0x2cf: {  	v3 =	vld [tilespmem:s18+$0x30];
	s13 =	sadd.s32 $0x80, s13  }
0x2d0: {  	s17 =	sadd.s32 $0x8, s17;
	s16 =	sadd.s32 $0x80, s16;
	v4 =	vld [tilespmem:s13+$0x30]  }
0x2d1: {  	p2 =	slt.u32 s17, $0xF0;
	v5 =	vld [tilespmem:s16+$0x30]  }
0x2d2: {  	v6 =	vld [tilespmem:s18+$0xFFFFFFC0]  }
0x2d3: {  	v7 =	vld [tilespmem:s16+$0xFFFFFFC0]  }
0x2d4: {  	v8 =	vld [tilespmem:s18+$0xFFFFFFD0]  }
0x2d5: {  	v9 =	vld [tilespmem:s16+$0xFFFFFFD0]  }
0x2d6: {  	v10 =	vld [tilespmem:s18+$0xFFFFFFE0];
	v3 =	vmul.f32 v5, v3  }
0x2d7: {  	v5 =	vld [tilespmem:s16+$0xFFFFFFE0]  }
0x2d8: {  	s19 =	simm.s32 $0x0;
	v6 =	vmul.f32 v7, v6;
	[tilespmem:v4+s11+$0x0] =	vst.idx.add.f32.msk $0xffff, v3  }
0x2d9: {  	v3 =	vld [tilespmem:s18+$0xFFFFFFF0]  }
0x2da: {  	v4 =	vmul.f32 v9, v8;
	v7 =	vld [tilespmem:s16+$0xFFFFFFF0]  }
0x2db: {  	v8 =	vld [tilespmem:s18+$0x0]  }
0x2dc: {  	v5 =	vmul.f32 v5, v10;
	v9 =	vld [tilespmem:s16+$0x0]  }
0x2dd: {  	v10 =	vld [tilespmem:s18+$0x10]  }
0x2de: {  	v11 =	vld [tilespmem:s16+$0x10]  }
0x2df: {  	v3 =	vmul.f32 v7, v3;
	v7 =	vld [tilespmem:s18+$0x20]  }
0x2e0: {  	v12 =	vld [tilespmem:s16+$0x20]  }
0x2e1: {  	v13 =	vld [tilespmem:s13+$0xFFFFFFD0];
	v8 =	vmul.f32 v9, v8  }
0x2e2: {  	v9 =	vld [tilespmem:s13+$0xFFFFFFE0]  }
0x2e3: {  	v14 =	vld [tilespmem:s13+$0xFFFFFFF0];
	v10 =	vmul.f32 v11, v10  }
0x2e4: {  	v11 =	vld [tilespmem:s13+$0x0]  }
0x2e5: {  	v15 =	vld [tilespmem:s13+$0x10];
	v7 =	vmul.f32 v12, v7  }
0x2e6: {  	v12 =	vld [tilespmem:s13+$0x20]  }
0x2e7: {  	v16 =	vld [tilespmem:s13+$0xFFFFFFC0]  }
0x2e8: {  	[tilespmem:v2+s11+$0x0] =	vst.idx.add.f32.msk $0xffff, v1;
	v1 =	vmov v6  }
0x2e9: {  	[tilespmem:v13+s11+$0x0] =	vst.idx.add.f32.msk $0xffff, v4  }
.Ltmp17:
0x2ea: {  	[tilespmem:v9+s11+$0x0] =	vst.idx.add.f32.msk $0xffff, v5;
	(pc) =	sbr.rel @p2 .LBB2_27-.Ltmp17, $4  }
0x2eb: {  	[tilespmem:v14+s11+$0x0] =	vst.idx.add.f32.msk $0xffff, v3  }
0x2ec: {  	[tilespmem:v11+s11+$0x0] =	vst.idx.add.f32.msk $0xffff, v8;
	v2 =	vmov v16  }
0x2ed: {  	[tilespmem:v15+s11+$0x0] =	vst.idx.add.f32.msk $0xffff, v10  }
0x2ee: {  	s18 =	sadd.s32 $0x80, s18;
	[tilespmem:v12+s11+$0x0] =	vst.idx.add.f32.msk $0xffff, v7  }
0x2ef: {  	_ =	sdelay $0x3  }
0x2f0: {  	[tilespmem:v2+s11+$0x0] =	vst.idx.add.f32.msk $0xffff, v1  }
.LBB2_29:
0x2f1: {  	s13 =	sshra.s32 s19, $0x2  }
0x2f2: {  	v1 =	vld [tilespmem:s13+$0x1C300]  }
0x2f3: {  	v2 =	vld [tilespmem:s13+$0x1D300]  }
0x2f4: {  	v3 =	vld [tilespmem:s13+$0x1E300];
	_ =	sdelay $0x1  }
0x2f5: {  	p2 =	sne.s32 s19, $0x40  }
.Ltmp18:
0x2f6: {  	_ = 	snop;
	(pc) =	sbr.rel @p2 .LBB2_29-.Ltmp18, $3  }
0x2f7: {  	_ = 	snop  }
0x2f8: {  	v2 =	vmul.f32 v3, v2;
	_ =	sdelay $0x1  }
0x2f9: {  	s19 =	sadd.s32 $0x40, s19;
	[tilespmem:v1+s11+$0x0] =	vst.idx.add.f32.msk $0xffff, v2  }
.Ltmp19:
0x2fa: {  	_ = 	snop;
	(pc) =	sbr.rel .LBB2_30-.Ltmp19, $1  }
0x2fb: {  	_ =	sdelay $0x3  }
.LBB2_32:
0x2fc: {  	_ =	sfence.sel $0x180000  }
0x2fd: {  	[bflag:$0x0] =	sbarrier.arrive $0xFFFF  }
0x2fe: {  	_ =	strace $0x9000004A  }
0x2ff: {  	s0 =	stileid.u32;
	[bflag:$0x2] =	sbarrier.arrive $0xFFFF  }
0x300: {  	p0 =	sne.s32 s0, $0x0;
	s0 =	rddreg [dreg:$0x1]  }
0x301: {  	s0 =	sadd.s32 @!p0 $0x100000, s0  }
0x302: {  	[sflag:s0] =	ssyncadd.tile.s32 @!p0 $0x1;
	_ =	shalt  }
.Lfunc_end2:
_tile_overlayer_lowered:
.L_overlay_start_2:
0x303: {  	(tag) =	ssettag $0x2  }
0x304: {  	s0 =	rddreg [dreg:$0x0];
	s2 =	stileid.u32  }
0x305: {  	s1 =	rddreg [dreg:$0x1];
	p0 =	sne.s32 s2, $0x0  }
0x306: {  	s3 =	rddreg [dreg:$0x2];
	[bflag:$0x3] =	sbarrier.arrive $0xFFFF;
	s2 =	simm.s32 @!p0 $0x1C03  }
0x307: {  	[timem:s3], [sflag:s2] =	dma.local @!p0 [hbm:s0], s1  }
0x308: {  	s0 =	simm.s32 @!p0 $0x3  }
0x309: {  	_ =	swait.ge @!p0 [sflag:s0], s1  }
0x30a: {  	s1 =	ssub.s32 @!p0 $0x0, s1;
	[sflag:s0] =	ssyncset.done @!p0 $0x0  }
0x30b: {  	[sflag:s0] =	ssyncadd.s32 @!p0 s1  }
0x30c: {  	[bflag:$0x3] =	sbarrier.arrive $0xFFFF  }
0x30d: {  	_ =	shalt  }

// kernel: kernel.8.cloned.1.call-start
scs
__scs_entry_jumppad:
0x0: {  	(pc) =	sbr.rel $0x88, $3  }
0x1: {  	(tag) =	ssettag $0x0;
	lr =	simm.s32 $0x1  }
0x2: {  	[smem:$0x3F99] =	sst lr;
	_ =	strace $0xD0000000  }
0x3: {  	_ = 	snop  }
0x4: {  	_ = 	snop  }
0x5: {  	_ = 	snop  }
0x6: {  	_ = 	snop  }
0x7: {  	_ = 	snop  }
__scs_overlays_trampoline_lowered:
0x8: {  	[smem:$0x3FA8] =	sst s0  }
0x9: {  	[smem:$0x3FA9] =	sst s1  }
0xa: {  	[smem:$0x3FAA] =	sst s2  }
0xb: {  	[smem:$0x3FAB] =	sst s3  }
0xc: {  	[smem:$0x3FAC] =	sst s4  }
0xd: {  	[smem:$0x3FAD] =	sst s5  }
0xe: {  	[smem:$0x3FAE] =	sst s6  }
0xf: {  	[smem:$0x3FAF] =	sst s7  }
0x10: {  	[smem:$0x3FB0] =	sst s8  }
0x11: {  	[smem:$0x3FB1] =	sst s9;
	s0 =	simm.s32 @!p0 $0x0  }
0x12: {  	s1 =	sld [smem:$0x3F97];
	s0 =	simm.s32 @p0 $0x1  }
0x13: {  	[smem:$0x3FB2] =	sst s0;
	s0 =	simm.s32 @!p1 $0x0  }
0x14: {  	s2 =	sld [smem:$0x3F96];
	s0 =	simm.s32 @p1 $0x1  }
0x15: {  	[smem:$0x3FB3] =	sst s0;
	s0 =	simm.s32 @!p2 $0x0  }
0x16: {  	s3 =	sld [smem:$0x3FDB];
	s0 =	simm.s32 @p2 $0x1  }
0x17: {  	s4 =	simm.s32 $0x1BF5;
	[smem:$0x3FB5] =	sst s0  }
0x18: {  	s0 =	sld [smem:$0x3F98];
	_ =	swait.ge [sflag:s4], $0x0  }
0x19: {  	s7 =	sld [smem:$0x3F99]  }
0x1a: {  	s8 =	sadd.s32 $0xFFFFE003, lr  }
0x1b: {  	s9 =	sadd.s32 $0xFFFFFEF7, lr;
	s5 =	simm.s32 $0xFFFFFFFF;
	p2 =	slt.u32 s8, $0xFFFFF086  }
0x1c: {  	p1 =	slt.u32 s9, $0xF7A;
	s5 =	simm.s32 @!p2 $0x0  }
0x1d: {  	s5 =	simm.s32 @p1 $0x1;
	p0 =	seq.s32 s7, s2  }
0x1e: {  	s7 =	smul.u32 @!p0 $0xF7A, s2;
	p2 =	seq.s32 @!p0 s5, $0x0  }
0x1f: {  	s9 =	smul.u32 $0xF7A, s1;
	s8 =	simm.s32 @!p0 $0x1BF5;
	p2 =	por !p2, p0  }
0x20: {  	[sflag:s8] =	ssyncset.s32 @!p0 $0xFFFFF086;
	s6 =	sadd.s32 @!p0 s3, s7;
	s7 =	simm.s32 @!p0 $0x108  }
0x21: {  	s3 =	sadd.s32 s3, s9;
	s6 =	sadd.s32 @!p0 $0x88, s6;
	s7 =	simm.s32 @p2 $0x1082  }
0x22: {  	[simem:s7], [sflag:s8] =	dma.local @!p0 [hbm:s6], $0xF7A  }
0x23: {  	s9 =	sor.u32 $0xD0000000, s2;
	s6 =	simm.s32 $0x108;
	_ =	swait.ge @!p0 [sflag:s8], $0x0  }
0x24: {  	s3 =	sadd.s32 $0x88, s3;
	s6 =	simm.s32 @!p1 $0x1082;
	[sflag:s4] =	ssyncset.s32 $0xFFFFF086  }
0x25: {  	[simem:s6], [sflag:s4] =	dma.local [hbm:s3], $0xF7A  }
0x26: {  	[smem:$0x3F99] =	sst s1;
	(tag) =	ssettag s2;
	_ =	strace s9  }
0x27: {  	s1 =	sld [smem:$0x3FA9]  }
0x28: {  	s2 =	sld [smem:$0x3FAA]  }
0x29: {  	s4 =	sld [smem:$0x3FAC]  }
0x2a: {  	p0 =	seq.s32 s5, $0x0;
	s5 =	sld [smem:$0x3FAD]  }
0x2b: {  	s6 =	sld [smem:$0x3FAE]  }
0x2c: {  	s7 =	sld [smem:$0x3FAF]  }
0x2d: {  	s3 =	simm.s32 $0x108;
	s8 =	sld [smem:$0x3FB0]  }
0x2e: {  	s3 =	simm.s32 @!p0 $0x1082;
	s9 =	sld [smem:$0x3FB1]  }
0x2f: {  	lr =	sadd.s32 s0, s3;
	s0 =	sld [smem:$0x3FA8]  }
0x30: {  	s3 =	sld [smem:$0x3FAB]  }
0x31: {  	[smem:$0x3FB4] =	sst s10  }
0x32: {  	s10 =	sld [smem:$0x3FB2];
	_ =	sdelay $0x3  }
0x33: {  	p0 =	seq.s32 s10, $0x1;
	s10 =	sld [smem:$0x3FB4];
	_ =	sdelay $0x3  }
0x34: {  	[smem:$0x3FB4] =	sst s10  }
0x35: {  	s10 =	sld [smem:$0x3FB3];
	_ =	sdelay $0x3  }
0x36: {  	p1 =	seq.s32 s10, $0x1;
	s10 =	sld [smem:$0x3FB4];
	_ =	sdelay $0x3  }
0x37: {  	[smem:$0x3FB4] =	sst s10  }
0x38: {  	s10 =	sld [smem:$0x3FB5]  }
0x39: {  	_ = 	snop;
	(pc) =	sbr.ind lr, $3  }
0x3a: {  	_ = 	snop  }
0x3b: {  	_ = 	snop  }
0x3c: {  	p2 =	seq.s32 s10, $0x1;
	s10 =	sld [smem:$0x3FB4]  }
0x3d: {  	_ =	shalt  }
0x3e: {  	_ =	shalt  }
0x3f: {  	_ =	shalt  }
0x40: {  	_ =	shalt  }
0x41: {  	_ =	shalt  }
0x42: {  	_ =	shalt  }
0x43: {  	_ =	shalt  }
0x44: {  	_ =	shalt  }
0x45: {  	_ =	shalt  }
0x46: {  	_ =	shalt  }
0x47: {  	_ =	shalt  }
0x48: {  	_ =	shalt  }
0x49: {  	_ =	shalt  }
0x4a: {  	_ =	shalt  }
0x4b: {  	_ =	shalt  }
0x4c: {  	_ =	shalt  }
0x4d: {  	_ =	shalt  }
0x4e: {  	_ =	shalt  }
0x4f: {  	_ =	shalt  }
0x50: {  	_ =	shalt  }
0x51: {  	_ =	shalt  }
0x52: {  	_ =	shalt  }
0x53: {  	_ =	shalt  }
0x54: {  	_ =	shalt  }
0x55: {  	_ =	shalt  }
0x56: {  	_ =	shalt  }
0x57: {  	_ =	shalt  }
0x58: {  	_ =	shalt  }
0x59: {  	_ =	shalt  }
0x5a: {  	_ =	shalt  }
0x5b: {  	_ =	shalt  }
0x5c: {  	_ =	shalt  }
0x5d: {  	_ =	shalt  }
0x5e: {  	_ =	shalt  }
0x5f: {  	_ =	shalt  }
0x60: {  	_ =	shalt  }
0x61: {  	_ =	shalt  }
0x62: {  	_ =	shalt  }
0x63: {  	_ =	shalt  }
0x64: {  	_ =	shalt  }
0x65: {  	_ =	shalt  }
0x66: {  	_ =	shalt  }
0x67: {  	_ =	shalt  }
0x68: {  	_ =	shalt  }
0x69: {  	_ =	shalt  }
0x6a: {  	_ =	shalt  }
0x6b: {  	_ =	shalt  }
0x6c: {  	_ =	shalt  }
0x6d: {  	_ =	shalt  }
0x6e: {  	_ =	shalt  }
0x6f: {  	_ =	shalt  }
0x70: {  	_ =	shalt  }
0x71: {  	_ =	shalt  }
0x72: {  	_ =	shalt  }
0x73: {  	_ =	shalt  }
0x74: {  	_ =	shalt  }
0x75: {  	_ =	shalt  }
0x76: {  	_ =	shalt  }
0x77: {  	_ =	shalt  }
0x78: {  	_ =	shalt  }
0x79: {  	_ =	shalt  }
0x7a: {  	_ =	shalt  }
0x7b: {  	_ =	shalt  }
0x7c: {  	_ =	shalt  }
0x7d: {  	_ =	shalt  }
0x7e: {  	_ =	shalt  }
0x7f: {  	_ =	shalt  }
0x80: {  	_ =	shalt  }
0x81: {  	_ =	shalt  }
0x82: {  	_ =	shalt  }
0x83: {  	_ =	shalt  }
0x84: {  	_ =	shalt  }
0x85: {  	_ =	shalt  }
0x86: {  	_ =	shalt  }
0x87: {  	_ =	shalt  }
.Lfunc_end0:
.L_simem_size_0:
called_computation_lowered:
.L_overlay_start_0:
0x88: {  	s2 =	sld [smem:$0x3FD9]  }
0x89: {  	s3 =	sld [smem:$0x3FFE];
	_ =	sdelay $0x1  }
0x8a: {  	s1 =	srdreg.scid  }
0x8b: {  	s0 =	sand.u32 $0x1, s1  }
0x8c: {  	s16 =	sshll.u32 s0, $0xA;
	s2 =	sadd.s32 s3, s2  }
0x8d: {  	s2 =	sadd.s32 s2, s16  }
0x8e: {  	[smem:$0x3FC0] =	sst s2  }
0x8f: {  	_ = 	snop  }
0x90: {  	(tm) =	ssettm $0x1  }
0x91: {  	s17 =	sld [smem:$0x3FFB];
	_ =	sdelay $0x3  }
0x92: {  	_ =	strace s17  }
0x93: {  	s2 =	sld [smem:$0x3FFC];
	_ =	sdelay $0x3  }
0x94: {  	_ =	strace s2  }
0x95: {  	s2 =	sld [smem:$0x3FFD];
	_ =	sdelay $0x3  }
0x96: {  	_ =	strace s2  }
0x97: {  	_ =	strace $0x8FFFFFFF  }
0x98: {  	s18 =	sld [smem:$0x3FDB];
	_ =	sdelay $0x1  }
0x99: {  	s19 =	simm.s32 $_scs_section_size  }
0x9a: {  	s4 =	simm.s32 $_size__tile_overlayer_lowered;
	s5 =	simm.s32 $_tile_overlayer_lowered  }
0x9b: {  	s22 =	simm.s32 $0x1BFF;
	s21 =	sshll.u32 s5, $0x1;
	s2 =	sadd.s32 s19, s18  }
0x9c: {  	s6 =	simm.s32 $0x0;
	s20 =	sshll.u32 s4, $0x1;
	s4 =	sadd.s32 s21, s2  }
0x9d: {  	[timem:s6], [sflag:s22] =	dma.local [hbm:s4], s20  }
0x9e: {  	_ =	swait.ge [sflag:s22], s20  }
0x9f: {  	s3 =	ssub.s32 $0x0, s20;
	[sflag:s22] =	ssyncset.done $0x0  }
0xa0: {  	[sflag:s22] =	ssyncadd.s32 s3;
	_ =	sdelay $0x1  }
0xa1: {  	s23 =	simm.s32 $0x1B8B  }
0xa2: {  	_ =	swait.ge [sflag:s23], $0x1  }
0xa3: {  	[sflag:s23] =	ssyncset.done $0x0  }
0xa4: {  	s25 =	simm.s32 $0x1B8E;
	s24 =	sld [smem:$0x3FFE];
	[sflag:s23] =	ssyncadd.s32 $0xFFFFFFFF  }
0xa5: {  	s26 =	simm.s32 $execute0_lowered;
	[smem:$0x3FD2] =	sst s25  }
0xa6: {  	s4 =	sshll.u32 s26, $0x1;
	_ =	strace $0x80000046;
	[dreg:$0x1] =	wrdreg $0xFFFFFFFF  }
0xa7: {  	s28 =	simm.s32 $_size_execute0_lowered;
	s2 =	sadd.s32 s2, s4;
	[dreg:$0x0] =	wrdreg $0x0  }
0xa8: {  	s4 =	sshll.u32 s28, $0x1;
	[dreg:$0x2] =	wrdreg s2  }
0xa9: {  	[dreg:$0x3] =	wrdreg s4  }
0xaa: {  	[dreg:$0x4] =	wrdreg $0xC0  }
0xab: {  	_ =	task [dreg:s6], $0x5FFFF  }
0xac: {  	[dreg:$0x1] =	wrdreg $0xFFFFFFFF  }
0xad: {  	[dreg:$0x0] =	wrdreg $0x60  }
0xae: {  	[dreg:$0x2] =	wrdreg s24  }
0xaf: {  	[dreg:$0x3] =	wrdreg $0x9  }
0xb0: {  	_ =	task.clear_ibuf [dreg:s6], $0x4FFFF;
	_ =	strace $0x90000046  }
0xb1: {  	s29 =	simm.s32 $0x9;
	_ =	strace $0x80000048  }
0xb2: {  	_ =	swait.ge [sflag:s29], $0x1  }
0xb3: {  	[sflag:s29] =	ssyncadd.s32 $0xFFFFFFFF  }
0xb4: {  	_ =	strace $0x90000048  }
0xb5: {  	_ =	sfence  }
0xb6: {  	s30 =	sld [smem:$0x0];
	_ =	sdelay $0x2  }
0xb7: {  	s31 =	sshll.u32 s1, $0xD;
	s1 =	sshrl.u32 s1, $0x2  }
0xb8: {  	s3 =	sand.u32 $0x4000, s31;
	s1 =	sadd.s32 s1, s30  }
0xb9: {  	s0 =	sor.u32 s3, s0;
	s1 =	sshll.u32 s1, $0x11  }
0xba: {  	s0 =	sor.u32 s1, s0  }
0xbb: {  	s0 =	sadd.s32 $0x8F2B, s0  }
0xbc: {  	[sflag:s0] =	ssyncadd.remote.s32 $0x1  }
0xbd: {  	_ =	sfence.sel $0xFFFF  }
0xbe: {  	[dreg:$0x0] =	wrdreg $0xFFFFFFFF;
	(pc) =	sbr.abs _section_cstart, $3  }
0xbf: {  	[dreg:$0x1] =	wrdreg $0xFFFFFFFF  }
0xc0: {  	_ =	task.clear_ibuf [dreg:s6], $0x2FFFF;
	_ =	strace $0x9FFFFFFF  }
0xc1: {  	(tm) =	ssettm $0x7FFFFFFF  }
tec
execute0_lowered:
.L_overlay_start_1:
0x0: {  	(tag) =	ssettag $0x1  }
0x1: {  	s1 =	srdreg.scid;
	s0 =	stileid.u32  }
0x2: {  	s5 =	rddreg [dreg:$0x0];
	s2 =	simm.s32 $0x0;
	s11 =	simm.s32 $0x2780  }
0x3: {  	s12 =	simm.s32 $0x4F00;
	s13 =	simm.s32 $0x7680;
	s14 =	simm.s32 $0x9E00  }
0x4: {  	s15 =	simm.s32 $0xC580;
	s3 =	sand.u32 $0x1, s1;
	s4 =	sshll.u32 s0, $0x1  }
0x5: {  	s16 =	simm.s32 $0x0;
	s1 =	rddreg [dreg:$0x1];
	s4 =	sor.u32 s3, s4  }
0x6: {  	[smem:$0x7FF] =	sst s2;
	s7 =	ssub.s32 $0x2, s3;
	s6 =	smul.u32 $0x4E2, s4  }
0x7: {  	_ =	strace $0x80000047;
	s3 =	sadd.s32 $0x51E00, s5;
	s8 =	sshrl.u32 s7, $0x1  }
0x8: {  	s4 =	sadd.s32 $0x52400, s5;
	s10 =	ssub.s32 s7, s8;
	s9 =	sadd.s32 s6, s5  }
0x9: {  	s5 =	sadd.s32 $0x5C800, s9;
	s6 =	sadd.s32 $0x52A00, s9;
	s7 =	sadd.s32 $0x66600, s9  }
0xa: {  	s8 =	sadd.s32 $0x70400, s9;
	s9 =	smax.u32 s10, $0x1;
	s10 =	simm.s32 $0x1  }
.LBB2_1:
0xb: {  	[tilespmem:s2], [sflag:$0x1] =	stream.linear.gather [hbm4b:s3+s2], $0x2780, $0x38;
	[tilespmem:$0xED00] =	vst v63  }
0xc: {  	_ =	swait.ge [sflag:s10], $0x2780  }
0xd: {  	[sflag:s10] =	ssyncset.done $0x0  }
0xe: {  	[sflag:s10] =	ssyncadd.s32 $0xFFFFD880  }
0xf: {  	[tilespmem:s11], [sflag:$0x1] =	stream.linear.gather [hbm4b:s4+s2], $0x2780, $0x38;
	[tilespmem:$0xED00] =	vst v63  }
0x10: {  	_ =	swait.ge [sflag:s10], $0x2780  }
0x11: {  	[sflag:s10] =	ssyncset.done $0x0  }
0x12: {  	[sflag:s10] =	ssyncadd.s32 $0xFFFFD880  }
0x13: {  	[tilespmem:s12], [sflag:$0x1] =	stream.linear.gather [hbm4b:s5+s2], $0x2710, $0x38;
	[tilespmem:$0xED00] =	vst v63  }
0x14: {  	_ =	swait.ge [sflag:s10], $0x2710  }
0x15: {  	[sflag:s10] =	ssyncset.done $0x0  }
0x16: {  	[sflag:s10] =	ssyncadd.s32 $0xFFFFD8F0  }
0x17: {  	[tilespmem:s13], [sflag:$0x1] =	stream.linear.gather [hbm4b:s6+s2], $0x2710, $0x38;
	[tilespmem:$0xED00] =	vst v63  }
0x18: {  	_ =	swait.ge [sflag:s10], $0x2710  }
0x19: {  	[sflag:s10] =	ssyncset.done $0x0  }
0x1a: {  	[sflag:s10] =	ssyncadd.s32 $0xFFFFD8F0  }
0x1b: {  	[tilespmem:s14], [sflag:$0x1] =	stream.linear.gather [hbm4b:s7+s2], $0x2710, $0x38;
	[tilespmem:$0xED00] =	vst v63  }
0x1c: {  	_ =	swait.ge [sflag:s10], $0x2710  }
0x1d: {  	[sflag:s10] =	ssyncset.done $0x0  }
0x1e: {  	s19 =	simm.s32 $0x4F40;
	[sflag:s10] =	ssyncadd.s32 $0xFFFFD8F0  }
0x1f: {  	s17 =	simm.s32 $0x76C0;
	v0 =	vld [tilespmem:s19+$0x30]  }
0x20: {  	v1 =	vld [tilespmem:s17+$0x30]  }
0x21: {  	v2 =	vld [tilespmem:s17+$0xFFFFFFC0]  }
0x22: {  	v3 =	vld [tilespmem:s19+$0xFFFFFFD0]  }
0x23: {  	v4 =	vld [tilespmem:s17+$0xFFFFFFD0]  }
0x24: {  	v5 =	vld [tilespmem:s19+$0xFFFFFFE0]  }
0x25: {  	v6 =	vld [tilespmem:s17+$0xFFFFFFE0]  }
0x26: {  	v7 =	vld [tilespmem:s19+$0xFFFFFFF0]  }
0x27: {  	v8 =	vld [tilespmem:s17+$0xFFFFFFF0]  }
0x28: {  	s18 =	simm.s32 $0x9E40;
	v9 =	vld [tilespmem:s19+$0x0]  }
0x29: {  	v10 =	vld [tilespmem:s18+$0x30]  }
0x2a: {  	v11 =	vld [tilespmem:s17+$0x0]  }
0x2b: {  	v12 =	vld [tilespmem:s19+$0x10]  }
0x2c: {  	v13 =	vld [tilespmem:s17+$0x10]  }
0x2d: {  	v14 =	vld [tilespmem:s19+$0x20]  }
0x2e: {  	v15 =	vld [tilespmem:s17+$0x20]  }
0x2f: {  	v16 =	vld [tilespmem:s19+$0xFFFFFFC0]  }
0x30: {  	v18 =	vld [tilespmem:s18+$0xFFFFFFC0]  }
0x31: {  	v19 =	vld [tilespmem:s18+$0xFFFFFFD0]  }
0x32: {  	v0 =	vld.idx.msk [tilespmem:v0+s11+$0x0], $0xffff  }
0x33: {  	v1 =	vld.idx.msk [tilespmem:v1+s2+$0x0], $0xffff  }
0x34: {  	v2 =	vld.idx.msk [tilespmem:v2+s2+$0x0], $0xffff  }
0x35: {  	v3 =	vld.idx.msk [tilespmem:v3+s11+$0x0], $0xffff  }
0x36: {  	v4 =	vld.idx.msk [tilespmem:v4+s2+$0x0], $0xffff  }
0x37: {  	v5 =	vld.idx.msk [tilespmem:v5+s11+$0x0], $0xffff  }
0x38: {  	v6 =	vld.idx.msk [tilespmem:v6+s2+$0x0], $0xffff  }
0x39: {  	v7 =	vld.idx.msk [tilespmem:v7+s11+$0x0], $0xffff  }
0x3a: {  	v17 =	vld.idx.msk [tilespmem:v8+s2+$0x0], $0xffff  }
0x3b: {  	v8 =	vld.idx.msk [tilespmem:v16+s11+$0x0], $0xffff  }
0x3c: {  	v63 =	vld.idx.msk [tilespmem:v9+s11+$0x0], $0xffff  }
0x3d: {  	v11 =	vld.idx.msk [tilespmem:v11+s2+$0x0], $0xffff  }
0x3e: {  	v12 =	vld.idx.msk [tilespmem:v12+s11+$0x0], $0xffff  }
0x3f: {  	v13 =	vld.idx.msk [tilespmem:v13+s2+$0x0], $0xffff;
	v0 =	vadd.f32 v1, v0  }
0x40: {  	v14 =	vld.idx.msk [tilespmem:v14+s11+$0x0], $0xffff  }
0x41: {  	v15 =	vld.idx.msk [tilespmem:v15+s2+$0x0], $0xffff;
	v10 =	vadd.f32 v10, v0  }
0x42: {  	v9 =	vld [tilespmem:s18+$0xFFFFFFE0];
	v20 =	vadd.f32 v4, v3  }
0x43: {  	v0 =	vadd.f32 v6, v5;
	v5 =	vadd.f32 v2, v8;
	v8 =	vld [tilespmem:s18+$0xFFFFFFF0];
	v4 =	vmul.f32 $2.000000030e-01, v10  }
0x44: {  	v1 =	vadd.f32 v17, v7;
	v3 =	vadd.f32 v11, v63;
	v7 =	vld [tilespmem:s18+$0x0]  }
0x45: {  	s19 =	simm.s32 $0xC5C0;
	v2 =	vadd.f32 v13, v12;
	v6 =	vld [tilespmem:s18+$0x10];
	v11 =	vadd.f32 v18, v5;
	v4 =	vmax.f32 v10, v4  }
0x46: {  	s20 =	simm.s32 $0x0;
	s21 =	simm.s32 $0x4FC0;
	v5 =	vld [tilespmem:s18+$0x20];
	v10 =	vadd.f32 v19, v20;
	[tilespmem:s19+$0x30] =	vst v4;
	v4 =	vadd.f32 v15, v14  }
.LBB2_2:
0x47: {  	v12 =	vld [tilespmem:s21+$0x30];
	v13 =	vmul.f32 $2.000000030e-01, v11;
	v0 =	vadd.f32 v9, v0;
	s17 =	sadd.s32 $0x80, s17  }
0x48: {  	s20 =	sadd.s32 $0x8, s20;
	v9 =	vld [tilespmem:s17+$0x30];
	v14 =	vmul.f32 $2.000000030e-01, v10;
	v1 =	vadd.f32 v8, v1  }
0x49: {  	p0 =	slt.u32 s20, $0x268;
	v8 =	vld [tilespmem:s17+$0xFFFFFFC0];
	v11 =	vmax.f32 v11, v13;
	v13 =	vmul.f32 $2.000000030e-01, v0;
	v3 =	vadd.f32 v7, v3  }
0x4a: {  	v7 =	vld [tilespmem:s21+$0xFFFFFFD0];
	[tilespmem:s19+$0xFFFFFFC0] =	vst v11;
	v10 =	vmax.f32 v10, v14;
	v11 =	vmul.f32 $2.000000030e-01, v1;
	v2 =	vadd.f32 v6, v2  }
0x4b: {  	v6 =	vld [tilespmem:s17+$0xFFFFFFD0];
	[tilespmem:s19+$0xFFFFFFD0] =	vst v10;
	v0 =	vmax.f32 v0, v13;
	v10 =	vmul.f32 $2.000000030e-01, v3;
	v4 =	vadd.f32 v5, v4  }
0x4c: {  	v5 =	vld [tilespmem:s21+$0xFFFFFFE0];
	[tilespmem:s19+$0xFFFFFFE0] =	vst v0;
	v0 =	vmax.f32 v1, v11;
	v1 =	vmul.f32 $2.000000030e-01, v2  }
0x4d: {  	v11 =	vld [tilespmem:s17+$0xFFFFFFE0];
	[tilespmem:s19+$0xFFFFFFF0] =	vst v0;
	v0 =	vmax.f32 v3, v10;
	v3 =	vmul.f32 $2.000000030e-01, v4  }
0x4e: {  	v10 =	vld [tilespmem:s21+$0xFFFFFFF0];
	[tilespmem:s19+$0x0] =	vst v0;
	v0 =	vmax.f32 v2, v1  }
0x4f: {  	v1 =	vld.idx.msk [tilespmem:v12+s11+$0x0], $0xffff;
	[tilespmem:s19+$0x10] =	vst v0;
	v0 =	vmax.f32 v4, v3  }
0x50: {  	v2 =	vld.idx.msk [tilespmem:v9+s2+$0x0], $0xffff;
	[tilespmem:s19+$0x20] =	vst v0  }
0x51: {  	v0 =	vld [tilespmem:s17+$0xFFFFFFF0]  }
0x52: {  	s18 =	sadd.s32 $0x80, s18;
	v3 =	vld [tilespmem:s21+$0x0]  }
0x53: {  	v4 =	vld [tilespmem:s18+$0x30]  }
0x54: {  	v9 =	vld [tilespmem:s17+$0x0]  }
0x55: {  	v12 =	vld [tilespmem:s21+$0x10]  }
0x56: {  	v1 =	vadd.f32 v2, v1;
	v13 =	vld [tilespmem:s17+$0x10]  }
0x57: {  	v2 =	vld [tilespmem:s21+$0x20]  }
0x58: {  	v14 =	vld [tilespmem:s17+$0x20];
	v1 =	vadd.f32 v4, v1  }
0x59: {  	v4 =	vld [tilespmem:s21+$0xFFFFFFC0]  }
0x5a: {  	v8 =	vld.idx.msk [tilespmem:v8+s2+$0x0], $0xffff;
	v15 =	vmul.f32 $2.000000030e-01, v1  }
0x5b: {  	v7 =	vld.idx.msk [tilespmem:v7+s11+$0x0], $0xffff  }
0x5c: {  	s19 =	sadd.s32 $0x80, s19;
	v6 =	vld.idx.msk [tilespmem:v6+s2+$0x0], $0xffff;
	v1 =	vmax.f32 v1, v15  }
0x5d: {  	v5 =	vld.idx.msk [tilespmem:v5+s11+$0x0], $0xffff;
	[tilespmem:s19+$0x30] =	vst v1  }
0x5e: {  	v1 =	vld.idx.msk [tilespmem:v11+s2+$0x0], $0xffff  }
0x5f: {  	v10 =	vld.idx.msk [tilespmem:v10+s11+$0x0], $0xffff  }
0x60: {  	v11 =	vld.idx.msk [tilespmem:v0+s2+$0x0], $0xffff  }
0x61: {  	v4 =	vld.idx.msk [tilespmem:v4+s11+$0x0], $0xffff  }
0x62: {  	v15 =	vadd.f32 v6, v7;
	v3 =	vld.idx.msk [tilespmem:v3+s11+$0x0], $0xffff  }
0x63: {  	v6 =	vld.idx.msk [tilespmem:v9+s2+$0x0], $0xffff  }
0x64: {  	v0 =	vadd.f32 v1, v5;
	v5 =	vld.idx.msk [tilespmem:v12+s11+$0x0], $0xffff  }
0x65: {  	v7 =	vld.idx.msk [tilespmem:v13+s2+$0x0], $0xffff  }
0x66: {  	v1 =	vadd.f32 v11, v10;
	v10 =	vld.idx.msk [tilespmem:v2+s11+$0x0], $0xffff  }
0x67: {  	v4 =	vadd.f32 v8, v4;
	v12 =	vld.idx.msk [tilespmem:v14+s2+$0x0], $0xffff  }
0x68: {  	v11 =	vld [tilespmem:s18+$0xFFFFFFC0]  }
0x69: {  	v3 =	vadd.f32 v6, v3;
	v13 =	vld [tilespmem:s18+$0xFFFFFFD0]  }
.Ltmp0:
0x6a: {  	v9 =	vld [tilespmem:s18+$0xFFFFFFE0];
	(pc) =	sbr.rel @p0 .LBB2_2-.Ltmp0, $4  }
0x6b: {  	v2 =	vadd.f32 v7, v5;
	v8 =	vld [tilespmem:s18+$0xFFFFFFF0]  }
0x6c: {  	v7 =	vld [tilespmem:s18+$0x0]  }
0x6d: {  	v11 =	vadd.f32 v11, v4;
	v6 =	vld [tilespmem:s18+$0x10];
	v4 =	vadd.f32 v12, v10  }
0x6e: {  	s21 =	sadd.s32 $0x80, s21;
	v10 =	vadd.f32 v13, v15;
	v5 =	vld [tilespmem:s18+$0x20]  }
0x6f: {  	v12 =	vmul.f32 $2.000000030e-01, v11;
	v0 =	vadd.f32 v9, v0  }
0x70: {  	v49 =	vmul.f32 $2.000000030e-01, v10;
	v1 =	vadd.f32 v8, v1  }
0x71: {  	v50 =	vmax.f32 v11, v12;
	v51 =	vmul.f32 $2.000000030e-01, v0;
	v3 =	vadd.f32 v7, v3  }
0x72: {  	[tilespmem:s19+$0xFFFFFFC0] =	vst v50;
	v52 =	vmax.f32 v10, v49;
	v53 =	vmul.f32 $2.000000030e-01, v1;
	v2 =	vadd.f32 v6, v2  }
0x73: {  	[tilespmem:s19+$0xFFFFFFD0] =	vst v52;
	v0 =	vmax.f32 v0, v51;
	v54 =	vmul.f32 $2.000000030e-01, v3;
	v4 =	vadd.f32 v5, v4  }
0x74: {  	[tilespmem:s19+$0xFFFFFFE0] =	vst v0;
	v55 =	vmax.f32 v1, v53;
	v56 =	vmul.f32 $2.000000030e-01, v2  }
0x75: {  	[tilespmem:s19+$0xFFFFFFF0] =	vst v55;
	v57 =	vmax.f32 v3, v54;
	v58 =	vmul.f32 $2.000000030e-01, v4  }
0x76: {  	[tilespmem:s19+$0x0] =	vst v57;
	v59 =	vmax.f32 v2, v56  }
0x77: {  	[tilespmem:s19+$0x10] =	vst v59;
	v60 =	vmax.f32 v4, v58  }
0x78: {  	[tilespmem:s19+$0x20] =	vst v60  }
0x79: {  	v0 =	vld [tilespmem:$0x7600]  }
0x7a: {  	v61 =	vld [tilespmem:$0x9D80];
	_ =	sdelay $0x6  }
0x7b: {  	v0 =	vld.idx.msk [tilespmem:v0+s11+$0x0], $0xffff  }
0x7c: {  	v1 =	vld.idx.msk [tilespmem:v61+s2+$0x0], $0xffff;
	_ =	sdelay $0x1  }
0x7d: {  	v62 =	vld [tilespmem:$0xC500];
	_ =	sdelay $0x2  }
0x7e: {  	v0 =	vadd.f32 v1, v0;
	_ =	sdelay $0x1  }
0x7f: {  	v0 =	vadd.f32 v62, v0;
	_ =	sdelay $0x1  }
0x80: {  	v63 =	vmul.f32 $2.000000030e-01, v0  }
0x81: {  	s16 =	sadd.s32 $0x1, s16  }
0x82: {  	p0 =	sne.s32 s16, s9;
	v0 =	vmax.f32 v0, v63  }
.Ltmp1:
0x83: {  	[tilespmem:$0xEC80] =	vst v0;
	(pc) =	sbr.rel @p0 .LBB2_1-.Ltmp1, $4  }
0x84: {  	[hbm4b:s8+s2] =	stream.linear.scatter [tilespmem:s15], [sflag:$0x1], $0x2710, $0x38;
	[tilespmem:$0xED00] =	vst v63  }
0x85: {  	_ =	swait.ge [sflag:s10], $0x2710  }
0x86: {  	[sflag:s10] =	ssyncset.done $0x0  }
0x87: {  	[sflag:s10] =	ssyncadd.s32 $0xFFFFD8F0  }
0x88: {  	_ =	sfence.sel $0x180000  }
0x89: {  	[bflag:$0x0] =	sbarrier.arrive $0xFFFF  }
0x8a: {  	p0 =	sne.s32 s0, $0x0;
	_ =	strace $0x90000047  }
0x8b: {  	s0 =	sadd.s32 @!p0 $0x100000, s1;
	[bflag:$0x2] =	sbarrier.arrive $0xFFFF  }
0x8c: {  	[sflag:s0] =	ssyncadd.tile.s32 @!p0 $0x1;
	_ =	shalt  }
.Lfunc_end2:
_tile_overlayer_lowered:
.L_overlay_start_2:
0x8d: {  	(tag) =	ssettag $0x2  }
0x8e: {  	s0 =	rddreg [dreg:$0x0];
	s2 =	stileid.u32  }
0x8f: {  	s1 =	rddreg [dreg:$0x1];
	p0 =	sne.s32 s2, $0x0  }
0x90: {  	s3 =	rddreg [dreg:$0x2];
	[bflag:$0x3] =	sbarrier.arrive $0xFFFF;
	s2 =	simm.s32 @!p0 $0x1C01  }
0x91: {  	[timem:s3], [sflag:s2] =	dma.local @!p0 [hbm:s0], s1  }
0x92: {  	s0 =	simm.s32 @!p0 $0x1  }
0x93: {  	_ =	swait.ge @!p0 [sflag:s0], s1  }
0x94: {  	s1 =	ssub.s32 @!p0 $0x0, s1;
	[sflag:s0] =	ssyncset.done @!p0 $0x0  }
0x95: {  	[sflag:s0] =	ssyncadd.s32 @!p0 s1  }
0x96: {  	[bflag:$0x3] =	sbarrier.arrive $0xFFFF  }
0x97: {  	_ =	shalt  }

</sc_bundles>
